<compile_context>
chip_gen: v7x
topology: tpu7x:2x2x1
jax: 0.10.2.dev20260603
libtpu: 0.0.44.dev20260713+nightly
codegen_flags: <defaults>
</compile_context>

<pallas_src>
import jax
import jax.numpy as jnp
from jax import lax
from jax.experimental import pallas as pl
from jax.experimental.pallas import tpu as pltpu
from jax.experimental.pallas import tpu_sc as plsc

MM = 10000
EE = 160000
RR = 10
QQ = 32
KK = 5
NHH = 32

RP = 16
NT = 16
NP = 10112
TRASH = MM
ROWS_PT = NP // NT
EPT = EE // NT
CH = 128
NCH = 79
EPTP = NCH * CH


def _sc_body(xin, rows, cols, tx, xs,
             deg_sh, y_sh, row_v, rowa_v, col_v, buf, dis_v, a_v, tm1_v, tm2_v,
             sem):
    g = lax.axis_index("c")
    s = lax.axis_index("s")
    widx = g * NT + s
    base = s * ROWS_PT
    xbase = g * NP + base

    pltpu.sync_copy(rows.at[widx], row_v)
    pltpu.sync_copy(cols.at[widx], col_v)

    goff = g * NP

    def adj(j, _):
        for l in range(CH // 16):
            rowa_v[j, pl.ds(l * 16, 16)] = row_v[j, pl.ds(l * 16, 16)] + goff
        return 0
    lax.fori_loop(0, NCH, adj, 0)

    def zr(r, _):
        a_v[r] = jnp.zeros((16,), jnp.float32)
        return 0
    lax.fori_loop(0, ROWS_PT, zr, 0)
    pltpu.sync_copy(a_v, deg_sh.at[pl.ds(base, ROWS_PT)])

    def on(r, _):
        buf[r] = jnp.ones((16,), jnp.float32)
        return 0
    lax.fori_loop(0, CH, on, 0)
    plsc.subcore_barrier()

    def dg(j, _):
        pltpu.sync_copy(buf, deg_sh.at[row_v.at[j]], add=True)
        return 0
    lax.fori_loop(0, NCH, dg, 0)
    plsc.subcore_barrier()

    pltpu.sync_copy(deg_sh.at[pl.ds(base, ROWS_PT)], a_v)
    pltpu.sync_copy(xin.at[pl.ds(xbase, ROWS_PT)], tm2_v)

    def dz(r, _):
        d = a_v[r]
        xc = jnp.maximum(d, 1.0)
        i = lax.bitcast_convert_type(xc, jnp.int32)
        i = jnp.int32(0x5F3759DF) - (i >> 1)
        y = lax.bitcast_convert_type(i, jnp.float32)
        for _it in range(3):
            y = y * (1.5 - 0.5 * xc * y * y)
        dis = jnp.where(d >= 0.5, y, 0.0)
        dis_v[r] = dis
        a_v[r] = dis * tm2_v[r]
        return 0
    lax.fori_loop(0, ROWS_PT, dz, 0)
    pltpu.sync_copy(a_v, xs.at[pl.ds(xbase, ROWS_PT)])
    plsc.subcore_barrier()

    for k in range(1, KK):
        def zy(r, _):
            a_v[r] = jnp.zeros((16,), jnp.float32)
            return 0
        lax.fori_loop(0, ROWS_PT, zy, 0)
        pltpu.sync_copy(a_v, y_sh.at[pl.ds(base, ROWS_PT)])
        plsc.subcore_barrier()

        def edge(j, _):
            pltpu.async_copy(xs.at[rowa_v.at[j]], buf, sem).wait()
            pltpu.sync_copy(buf, y_sh.at[col_v.at[j]], add=True)
            return 0
        lax.fori_loop(0, NCH, edge, 0)
        plsc.subcore_barrier()

        pltpu.sync_copy(y_sh.at[pl.ds(base, ROWS_PT)], a_v)
        hist = tm1_v if (k % 2 == 1) else tm2_v

        def mg(r, _):
            p = -(dis_v[r] * a_v[r])
            if k == 1:
                t = p
            else:
                t = 2.0 * p - hist[r]
            hist[r] = t
            a_v[r] = dis_v[r] * t
            return 0
        lax.fori_loop(0, ROWS_PT, mg, 0)
        pltpu.sync_copy(hist, tx.at[g * 4 + (k - 1), pl.ds(base, ROWS_PT)])
        if k < KK - 1:
            pltpu.sync_copy(a_v, xs.at[pl.ds(xbase, ROWS_PT)])
        plsc.subcore_barrier()


def _sc_cheb(x2, rows32, cols32):
    mesh = plsc.VectorSubcoreMesh(core_axis_name="c", subcore_axis_name="s")
    f = pl.kernel(
        _sc_body,
        mesh=mesh,
        compiler_params=pltpu.CompilerParams(use_tc_tiling_on_sc=False),
        out_type=[
            jax.ShapeDtypeStruct((8, NP, RP), jnp.float32),
            jax.ShapeDtypeStruct((2 * NP, RP), jnp.float32),
        ],
        scratch_types=[
            pltpu.VMEM_SHARED((NP, RP), jnp.float32),
            pltpu.VMEM_SHARED((NP, RP), jnp.float32),
            pltpu.VMEM((NCH, CH), jnp.int32),
            pltpu.VMEM((NCH, CH), jnp.int32),
            pltpu.VMEM((NCH, CH), jnp.int32),
            pltpu.VMEM((CH, RP), jnp.float32),
            pltpu.VMEM((ROWS_PT, RP), jnp.float32),
            pltpu.VMEM((ROWS_PT, RP), jnp.float32),
            pltpu.VMEM((ROWS_PT, RP), jnp.float32),
            pltpu.VMEM((ROWS_PT, RP), jnp.float32),
            pltpu.SemaphoreType.DMA,
        ],
    )
    return f(x2, rows32, cols32)


def _tc_body(x_ref, cw_ref, cb_ref, wihT_ref, whh128_ref, bsum_ref, gs_ref,
             ga_ref, gb_ref, dwT_ref, db_ref, hout_ref, wout_ref,
             xg0_ref, xg1_ref, o3_ref, o4_ref):
    whh128 = whh128_ref[...]
    bsum = bsum_ref[...]
    gs = gs_ref[...]
    ga = ga_ref[...]
    gb = gb_ref[...]
    for gi in range(2):
        acc = jnp.dot(x_ref[gi], cw_ref[gi], preferred_element_type=jnp.float32)
        til = jax.nn.sigmoid(acc + cb_ref[gi])
        xg = (jnp.dot(til, wihT_ref[...], preferred_element_type=jnp.float32)
              + bsum) * gs
        if gi == 0:
            xg0_ref[...] = xg
        else:
            xg1_ref[...] = xg

    def make_step(xg_ref, out_ref):
        def step(t, carry):
            h, c = carry
            g = xg_ref[pl.ds(t, 1), :] + jnp.dot(h, whh128,
                                                 preferred_element_type=jnp.float32)
            th = jnp.tanh(g)
            gates = ga * th + gb
            i_al = pltpu.roll(gates, NHH, 1)
            u_al = pltpu.roll(gates, 3 * NHH, 1)
            o_al = pltpu.roll(gates, 2 * NHH, 1)
            c = gates * c + i_al * u_al
            h = o_al * jnp.tanh(c)
            if out_ref is not None:
                out_ref[pl.ds(t, 1), :] = h
            return (h, c)
        return step

    h = jnp.zeros((1, 4 * NHH), jnp.float32)
    c = jnp.zeros((1, 4 * NHH), jnp.float32)
    for xgr, outr in ((xg0_ref, None), (xg1_ref, None), (xg0_ref, o3_ref), (xg1_ref, o4_ref)):
        h, c = lax.fori_loop(0, MM, make_step(xgr, outr), (h, c))

    dH = jnp.tanh(jnp.dot(o3_ref[...], dwT_ref[0], preferred_element_type=jnp.float32)
                  + db_ref[0])
    hout_ref[...] = x_ref[0, 0:MM, 0:RR] + dH[:, 0:RR]
    dW = jnp.tanh(jnp.dot(o4_ref[...], dwT_ref[1], preferred_element_type=jnp.float32)
                  + db_ref[1])
    wout_ref[...] = x_ref[1, 0:MM, 0:RR] + dW[:, 0:RR]


def kernel(H, W, HA, WA, hcheb_w, hcheb_b, wcheb_w, wcheb_b,
           lstm_wih, lstm_whh, lstm_bih, lstm_bhh, dh_w, dh_b, dw_w, dw_b):
    f32 = jnp.float32
    Hp = jnp.pad(H.astype(f32), ((0, NP - MM), (0, RP - RR)))
    Wp = jnp.pad(W.astype(f32), ((0, NP - MM), (0, RP - RR)))
    X2 = jnp.concatenate([Hp, Wp], axis=0)

    def edges(A):
        pad = jnp.full((NT, EPTP - EPT), TRASH, jnp.int32)
        r = jnp.concatenate([A[0].astype(jnp.int32).reshape(NT, EPT), pad], axis=1)
        c = jnp.concatenate([A[1].astype(jnp.int32).reshape(NT, EPT), pad], axis=1)
        return r.reshape(NT, NCH, CH), c.reshape(NT, NCH, CH)

    rH, cH = edges(HA)
    rW, cW = edges(WA)
    rows32 = jnp.concatenate([rH, rW], axis=0)
    cols32 = jnp.concatenate([cH, cW], axis=0)

    tx, _xs = _sc_cheb(X2, rows32, cols32)

    cw = jnp.stack([jnp.pad(hcheb_w, ((0, 0), (0, RP - RR), (0, 0))),
                    jnp.pad(wcheb_w, ((0, 0), (0, RP - RR), (0, 0)))])
    cw = cw.reshape(2, KK * RP, QQ)
    cb = jnp.stack([hcheb_b, wcheb_b]).reshape(2, 1, QQ)
    wihT = lstm_wih.T
    bsum = (lstm_bih + lstm_bhh).reshape(1, 4 * NHH)
    half = jnp.ones((1, NHH), f32) * 0.5
    one = jnp.ones((1, NHH), f32)
    zero = jnp.zeros((1, NHH), f32)
    gs = jnp.concatenate([half, half, one, half], axis=1)
    ga = jnp.concatenate([half, half, one, half], axis=1)
    gb = jnp.concatenate([half, half, zero, half], axis=1)
    whh128 = jnp.zeros((4 * NHH, 4 * NHH), f32).at[NHH:2 * NHH, :].set(
        lstm_whh.T * gs)
    dwT = jnp.stack([
        jnp.zeros((4 * NHH, RP), f32).at[NHH:2 * NHH, 0:RR].set(dh_w.T),
        jnp.zeros((4 * NHH, RP), f32).at[NHH:2 * NHH, 0:RR].set(dw_w.T)])
    db = jnp.stack([jnp.pad(dh_b, (0, RP - RR)),
                    jnp.pad(dw_b, (0, RP - RR))]).reshape(2, 1, RP)

    X3 = X2.reshape(2, NP, RP)
    txg = tx.reshape(2, 4, NP, RP).transpose(0, 2, 1, 3).reshape(2, NP, 4 * RP)
    Xcat = jnp.concatenate([X3, txg], axis=2)
    Hout, Wout = pl.pallas_call(
        _tc_body,
        out_shape=[jax.ShapeDtypeStruct((MM, RR), f32),
                   jax.ShapeDtypeStruct((MM, RR), f32)],
        scratch_shapes=[
            pltpu.VMEM((NP, 4 * NHH), f32),
            pltpu.VMEM((NP, 4 * NHH), f32),
            pltpu.VMEM((MM, 4 * NHH), f32),
            pltpu.VMEM((MM, 4 * NHH), f32),
        ],
    )(Xcat, cw, cb, wihT, whh128, bsum, gs, ga, gb, dwT, db)
    return (Hout, Wout)

# --- scband reference (transcript-rebuilt; emitter-appended) ---
"""Pipeline reference for scband-rgcnnfactorization-18820546691612 (READ-ONLY COPY).

The authoritative reference and input builder live on the scoring server;
editing this copy changes nothing except your own understanding.
"""

import jax, jax.numpy as jnp
import numpy as np

M = 10000
N = 10000
E = 160000
R = 10
Q = 32
K = 5
NH = 32
T = 2


def setup_inputs(seed: int = 0):
    key = jax.random.key(seed)
    ks = jax.random.split(key, 16)
    inp = {}
    inp["H"] = jax.random.normal(ks[0], (M, R), jnp.float32)
    inp["W"] = jax.random.normal(ks[1], (N, R), jnp.float32)
    inp["HA"] = jax.random.randint(ks[2], (2, E), 0, M, dtype=jnp.int32).astype(jnp.int64)
    inp["WA"] = jax.random.randint(ks[3], (2, E), 0, N, dtype=jnp.int32).astype(jnp.int64)
    s = 1.0 / np.sqrt(R * K)
    inp["hcheb_w"] = jax.random.uniform(ks[4], (K, R, Q), jnp.float32, -s, s)
    inp["hcheb_b"] = jnp.zeros((Q,), jnp.float32)
    inp["wcheb_w"] = jax.random.uniform(ks[5], (K, R, Q), jnp.float32, -s, s)
    inp["wcheb_b"] = jnp.zeros((Q,), jnp.float32)
    sl = 1.0 / np.sqrt(NH)
    inp["lstm_wih"] = jax.random.uniform(ks[6], (4 * NH, Q), jnp.float32, -sl, sl)
    inp["lstm_whh"] = jax.random.uniform(ks[7], (4 * NH, NH), jnp.float32, -sl, sl)
    inp["lstm_bih"] = jax.random.uniform(ks[8], (4 * NH,), jnp.float32, -sl, sl)
    inp["lstm_bhh"] = jax.random.uniform(ks[9], (4 * NH,), jnp.float32, -sl, sl)
    sd = 1.0 / np.sqrt(NH)
    inp["dh_w"] = jax.random.uniform(ks[10], (R, NH), jnp.float32, -sd, sd)
    inp["dh_b"] = jax.random.uniform(ks[11], (R,), jnp.float32, -sd, sd)
    inp["dw_w"] = jax.random.uniform(ks[12], (R, NH), jnp.float32, -sd, sd)
    inp["dw_b"] = jax.random.uniform(ks[13], (R,), jnp.float32, -sd, sd)
    return inp


def chebconv(x, edge_index, w, b):
    # Faithful to torch_geometric ChebConv with default sym normalization, lambda_max=2,
    # unit edge weights: scaled Laplacian L_hat has zero diagonal and -D^-1/2 A D^-1/2 off-diagonal.
    n = x.shape[0]
    row = edge_index[0]
    col = edge_index[1]
    deg = jnp.zeros((n,), x.dtype).at[row].add(1.0)
    dis = jnp.where(deg > 0, 1.0 / jnp.sqrt(jnp.where(deg > 0, deg, 1.0)), 0.0)
    norm = -dis[row] * dis[col]

    def prop(t):
        return jnp.zeros_like(t).at[col].add(norm[:, None] * t[row])

    tx0 = x
    out = tx0 @ w[0]
    tx1 = prop(tx0)
    out = out + tx1 @ w[1]
    txm2, txm1 = tx0, tx1
    for k in range(2, K):
        txk = 2.0 * prop(txm1) - txm2
        out = out + txk @ w[k]
        txm2, txm1 = txm1, txk
    return out + b


def lstm(xseq, h0, c0, wih, whh, bih, bhh):
    # torch.nn.LSTM, 1 layer, batch=1, batch_first; gate order i, f, g, o
    def step(carry, xt):
        h, c = carry
        g = xt @ wih.T + h @ whh.T + bih + bhh
        i, f, gg, o = jnp.split(g, 4)
        i = jax.nn.sigmoid(i)
        f = jax.nn.sigmoid(f)
        gg = jnp.tanh(gg)
        o = jax.nn.sigmoid(o)
        c = f * c + i * gg
        h = o * jnp.tanh(c)
        return (h, c), h

    (h, c), out = jax.lax.scan(step, (h0, c0), xseq)
    return out, h, c


def reference(H, W, HA, WA, hcheb_w, hcheb_b, wcheb_w, wcheb_b, lstm_wih, lstm_whh, lstm_bih, lstm_bhh, dh_w, dh_b, dw_w, dw_b):
    h = jnp.zeros((NH,), jnp.float32)
    c = jnp.zeros((NH,), jnp.float32)
    Hout = H
    Wout = W
    for _ in range(T):
        Htilde = jax.nn.sigmoid(chebconv(H, HA, hcheb_w, hcheb_b))
        out, h, c = lstm(Htilde, h, c, lstm_wih, lstm_whh, lstm_bih, lstm_bhh)
        dH = jnp.tanh(out @ dh_w.T + dh_b)
        Hout = H + dH
        Wtilde = jax.nn.sigmoid(chebconv(W, WA, wcheb_w, wcheb_b))
        out, h, c = lstm(Wtilde, h, c, lstm_wih, lstm_whh, lstm_bih, lstm_bhh)
        dW = jnp.tanh(out @ dw_w.T + dw_b)
        Wout = W + dW
    return (Hout, Wout)

if __name__ == "__main__":
    import jax
    _d = setup_inputs()
    print(jax.jit(kernel)(*tuple(_d.values())))

</pallas_src>

<mosaic_0001>
#map = affine_map<(d0, d1) -> (0, 0)>
#map1 = affine_map<(d0, d1) -> (0, 0, 0)>
module attributes {stable_mosaic.version = 14 : i64} {
  func.func @_sc_body(%arg0: i32, %arg1: i32, %arg2: memref<20224x16xf32, #tpu.memory_space<hbm>>, %arg3: memref<32x79x128xi32, #tpu.memory_space<hbm>>, %arg4: memref<32x79x128xi32, #tpu.memory_space<hbm>>, %arg5: memref<8x10112x16xf32, #tpu.memory_space<hbm>>, %arg6: memref<20224x16xf32, #tpu.memory_space<hbm>>, %arg7: memref<10112x16xf32, #tpu.memory_space<vmem_shared>>, %arg8: memref<10112x16xf32, #tpu.memory_space<vmem_shared>>, %arg9: memref<79x128xi32, #tpu.memory_space<vmem>>, %arg10: memref<79x128xi32, #tpu.memory_space<vmem>>, %arg11: memref<79x128xi32, #tpu.memory_space<vmem>>, %arg12: memref<128x16xf32, #tpu.memory_space<vmem>>, %arg13: memref<632x16xf32, #tpu.memory_space<vmem>>, %arg14: memref<632x16xf32, #tpu.memory_space<vmem>>, %arg15: memref<632x16xf32, #tpu.memory_space<vmem>>, %arg16: memref<632x16xf32, #tpu.memory_space<vmem>>, %arg17: memref<!tpu.dma_semaphore, #tpu.memory_space<semaphore_mem>>) attributes {dimension_semantics = [#tpu.dimension_semantics<core_parallel>, #tpu.dimension_semantics<subcore_parallel>], iteration_bounds = array<i64: 2, 16>, scalar_prefetch = 0 : i64, scratch_operands = 11 : i64, tpu.core_type = #tpu.core_type<sc_vector_subcore>, window_params = [{transform_indices = #map}, {transform_indices = #map1}, {transform_indices = #map1}, {transform_indices = #map1}, {transform_indices = #map}]} {
    %mul3A = arith.constant 16 : i32
    %mul3A_0 = arith.muli %arg0, %mul3A : i32
    %add3A = arith.addi %mul3A_0, %arg1 : i32
    %mul3A_1 = arith.constant 632 : i32
    %mul3A_2 = arith.muli %arg1, %mul3A_1 : i32
    %mul3A_3 = arith.constant 10112 : i32
    %mul3A_4 = arith.muli %arg0, %mul3A_3 : i32
    %add3A_5 = arith.addi %mul3A_4, %mul3A_2 : i32
    "tpu.region"() ({
      %run_scoped3A = tpu.sem_alloc : memref<!tpu.dma_semaphore, #tpu.memory_space<semaphore_mem>>
      %dma_start3A = arith.constant 0 : i32
      %dma_start3A_156 = arith.constant 0 : i32
      %dma_start3A_157 = tpu.memref_slice %arg3[%add3A, %dma_start3A, %dma_start3A_156] : memref<32x79x128xi32, #tpu.memory_space<hbm>> -> memref<1x79x128xi32, #tpu.memory_space<hbm>>
      %dma_start3A_158 = tpu.memref_squeeze %dma_start3A_157 : memref<1x79x128xi32, #tpu.memory_space<hbm>> -> memref<79x128xi32, #tpu.memory_space<hbm>>
      %dma_start3A_159 = arith.constant 0 : i32
      %dma_start3A_160 = arith.constant 0 : i32
      %dma_start3A_161 = tpu.memref_slice %arg3[%add3A, %dma_start3A_159, %dma_start3A_160] : memref<32x79x128xi32, #tpu.memory_space<hbm>> -> memref<1x79x128xi32, #tpu.memory_space<hbm>>
      %dma_start3A_162 = tpu.memref_squeeze %dma_start3A_161 : memref<1x79x128xi32, #tpu.memory_space<hbm>> -> memref<79x128xi32, #tpu.memory_space<hbm>>
      tpu.enqueue_dma source(%dma_start3A_162 : memref<79x128xi32, #tpu.memory_space<hbm>>) target(%arg9 : memref<79x128xi32, #tpu.memory_space<vmem>>) target_semaphore(%run_scoped3A : memref<!tpu.dma_semaphore, #tpu.memory_space<semaphore_mem>>)
      %dma_wait3A = arith.constant 0 : i32
      %dma_wait3A_163 = arith.constant 0 : i32
      %dma_wait3A_164 = tpu.memref_slice %arg3[%add3A, %dma_wait3A, %dma_wait3A_163] : memref<32x79x128xi32, #tpu.memory_space<hbm>> -> memref<1x79x128xi32, #tpu.memory_space<hbm>>
      %dma_wait3A_165 = tpu.memref_squeeze %dma_wait3A_164 : memref<1x79x128xi32, #tpu.memory_space<hbm>> -> memref<79x128xi32, #tpu.memory_space<hbm>>
      %dma_wait3A_166 = arith.constant 0 : i32
      %dma_wait3A_167 = arith.constant 0 : i32
      %dma_wait3A_168 = tpu.memref_slice %arg3[%add3A, %dma_wait3A_166, %dma_wait3A_167] : memref<32x79x128xi32, #tpu.memory_space<hbm>> -> memref<1x79x128xi32, #tpu.memory_space<hbm>>
      %dma_wait3A_169 = tpu.memref_squeeze %dma_wait3A_168 : memref<1x79x128xi32, #tpu.memory_space<hbm>> -> memref<79x128xi32, #tpu.memory_space<hbm>>
      tpu.wait_dma2 semaphore(%run_scoped3A : memref<!tpu.dma_semaphore, #tpu.memory_space<semaphore_mem>>) src(%dma_wait3A_169 : memref<79x128xi32, #tpu.memory_space<hbm>>) dst(%arg9 : memref<79x128xi32, #tpu.memory_space<vmem>>)
      tpu.yield
    }) : () -> ()
    "tpu.region"() ({
      %run_scoped3A = tpu.sem_alloc : memref<!tpu.dma_semaphore, #tpu.memory_space<semaphore_mem>>
      %dma_start3A = arith.constant 0 : i32
      %dma_start3A_156 = arith.constant 0 : i32
      %dma_start3A_157 = tpu.memref_slice %arg4[%add3A, %dma_start3A, %dma_start3A_156] : memref<32x79x128xi32, #tpu.memory_space<hbm>> -> memref<1x79x128xi32, #tpu.memory_space<hbm>>
      %dma_start3A_158 = tpu.memref_squeeze %dma_start3A_157 : memref<1x79x128xi32, #tpu.memory_space<hbm>> -> memref<79x128xi32, #tpu.memory_space<hbm>>
      %dma_start3A_159 = arith.constant 0 : i32
      %dma_start3A_160 = arith.constant 0 : i32
      %dma_start3A_161 = tpu.memref_slice %arg4[%add3A, %dma_start3A_159, %dma_start3A_160] : memref<32x79x128xi32, #tpu.memory_space<hbm>> -> memref<1x79x128xi32, #tpu.memory_space<hbm>>
      %dma_start3A_162 = tpu.memref_squeeze %dma_start3A_161 : memref<1x79x128xi32, #tpu.memory_space<hbm>> -> memref<79x128xi32, #tpu.memory_space<hbm>>
      tpu.enqueue_dma source(%dma_start3A_162 : memref<79x128xi32, #tpu.memory_space<hbm>>) target(%arg11 : memref<79x128xi32, #tpu.memory_space<vmem>>) target_semaphore(%run_scoped3A : memref<!tpu.dma_semaphore, #tpu.memory_space<semaphore_mem>>)
      %dma_wait3A = arith.constant 0 : i32
      %dma_wait3A_163 = arith.constant 0 : i32
      %dma_wait3A_164 = tpu.memref_slice %arg4[%add3A, %dma_wait3A, %dma_wait3A_163] : memref<32x79x128xi32, #tpu.memory_space<hbm>> -> memref<1x79x128xi32, #tpu.memory_space<hbm>>
      %dma_wait3A_165 = tpu.memref_squeeze %dma_wait3A_164 : memref<1x79x128xi32, #tpu.memory_space<hbm>> -> memref<79x128xi32, #tpu.memory_space<hbm>>
      %dma_wait3A_166 = arith.constant 0 : i32
      %dma_wait3A_167 = arith.constant 0 : i32
      %dma_wait3A_168 = tpu.memref_slice %arg4[%add3A, %dma_wait3A_166, %dma_wait3A_167] : memref<32x79x128xi32, #tpu.memory_space<hbm>> -> memref<1x79x128xi32, #tpu.memory_space<hbm>>
      %dma_wait3A_169 = tpu.memref_squeeze %dma_wait3A_168 : memref<1x79x128xi32, #tpu.memory_space<hbm>> -> memref<79x128xi32, #tpu.memory_space<hbm>>
      tpu.wait_dma2 semaphore(%run_scoped3A : memref<!tpu.dma_semaphore, #tpu.memory_space<semaphore_mem>>) src(%dma_wait3A_169 : memref<79x128xi32, #tpu.memory_space<hbm>>) dst(%arg11 : memref<79x128xi32, #tpu.memory_space<vmem>>)
      tpu.yield
    }) : () -> ()
    %mul3A_6 = arith.constant 10112 : i32
    %mul3A_7 = arith.muli %arg0, %mul3A_6 : i32
    %scan3A = arith.constant 0 : i32
    %scan3A_8 = arith.constant 0 : i32
    %scan3A_9 = arith.constant 79 : i32
    %scan3A_10 = arith.addi %scan3A_8, %scan3A_9 : i32
    %scan3A_11 = arith.constant 1 : i32
    %scan3A_12 = scf.for %scan3A_156 = %scan3A_8 to %scan3A_10 step %scan3A_11 iter_args(%scan3A_157 = %scan3A) -> (i32)  : i32 {
      %get3A = arith.index_cast %scan3A_156 : i32 to index
      %get3A_158 = arith.constant 0 : index
      %get3A_159 = tpu.vector_load %arg9[%get3A, %get3A_158] {strides = array<i32>} : memref<79x128xi32, #tpu.memory_space<vmem>>, vector<1x16xi32>,
      %get3A_160 = vector.shape_cast %get3A_159 : vector<1x16xi32> to vector<16xi32>
      %add3A_161 = vector.broadcast %mul3A_7 : i32 to vector<16xi32>
      %add3A_162 = arith.addi %get3A_160, %add3A_161 : vector<16xi32>
      %swap3A = arith.index_cast %scan3A_156 : i32 to index
      %swap3A_163 = arith.constant 0 : index
      %swap3A_164 = tpu.vector_load %arg10[%swap3A, %swap3A_163] {strides = array<i32>} : memref<79x128xi32, #tpu.memory_space<vmem>>, vector<1x16xi32>,
      %swap3A_165 = vector.shape_cast %swap3A_164 : vector<1x16xi32> to vector<16xi32>
      %swap3A_166 = vector.shape_cast %add3A_162 : vector<16xi32> to vector<1x16xi32>
      tpu.vector_store %arg10[%swap3A, %swap3A_163], %swap3A_166 {strides = array<i32>} : memref<79x128xi32, #tpu.memory_space<vmem>>, vector<1x16xi32>,
      %get3A_167 = arith.index_cast %scan3A_156 : i32 to index
      %get3A_168 = arith.constant 16 : index
      %get3A_169 = tpu.vector_load %arg9[%get3A_167, %get3A_168] {strides = array<i32>} : memref<79x128xi32, #tpu.memory_space<vmem>>, vector<1x16xi32>,
      %get3A_170 = vector.shape_cast %get3A_169 : vector<1x16xi32> to vector<16xi32>
      %add3A_171 = vector.broadcast %mul3A_7 : i32 to vector<16xi32>
      %add3A_172 = arith.addi %get3A_170, %add3A_171 : vector<16xi32>
      %swap3A_173 = arith.index_cast %scan3A_156 : i32 to index
      %swap3A_174 = arith.constant 16 : index
      %swap3A_175 = tpu.vector_load %arg10[%swap3A_173, %swap3A_174] {strides = array<i32>} : memref<79x128xi32, #tpu.memory_space<vmem>>, vector<1x16xi32>,
      %swap3A_176 = vector.shape_cast %swap3A_175 : vector<1x16xi32> to vector<16xi32>
      %swap3A_177 = vector.shape_cast %add3A_172 : vector<16xi32> to vector<1x16xi32>
      tpu.vector_store %arg10[%swap3A_173, %swap3A_174], %swap3A_177 {strides = array<i32>} : memref<79x128xi32, #tpu.memory_space<vmem>>, vector<1x16xi32>,
      %get3A_178 = arith.index_cast %scan3A_156 : i32 to index
      %get3A_179 = arith.constant 32 : index
      %get3A_180 = tpu.vector_load %arg9[%get3A_178, %get3A_179] {strides = array<i32>} : memref<79x128xi32, #tpu.memory_space<vmem>>, vector<1x16xi32>,
      %get3A_181 = vector.shape_cast %get3A_180 : vector<1x16xi32> to vector<16xi32>
      %add3A_182 = vector.broadcast %mul3A_7 : i32 to vector<16xi32>
      %add3A_183 = arith.addi %get3A_181, %add3A_182 : vector<16xi32>
      %swap3A_184 = arith.index_cast %scan3A_156 : i32 to index
      %swap3A_185 = arith.constant 32 : index
      %swap3A_186 = tpu.vector_load %arg10[%swap3A_184, %swap3A_185] {strides = array<i32>} : memref<79x128xi32, #tpu.memory_space<vmem>>, vector<1x16xi32>,
      %swap3A_187 = vector.shape_cast %swap3A_186 : vector<1x16xi32> to vector<16xi32>
      %swap3A_188 = vector.shape_cast %add3A_183 : vector<16xi32> to vector<1x16xi32>
      tpu.vector_store %arg10[%swap3A_184, %swap3A_185], %swap3A_188 {strides = array<i32>} : memref<79x128xi32, #tpu.memory_space<vmem>>, vector<1x16xi32>,
      %get3A_189 = arith.index_cast %scan3A_156 : i32 to index
      %get3A_190 = arith.constant 48 : index
      %get3A_191 = tpu.vector_load %arg9[%get3A_189, %get3A_190] {strides = array<i32>} : memref<79x128xi32, #tpu.memory_space<vmem>>, vector<1x16xi32>,
      %get3A_192 = vector.shape_cast %get3A_191 : vector<1x16xi32> to vector<16xi32>
      %add3A_193 = vector.broadcast %mul3A_7 : i32 to vector<16xi32>
      %add3A_194 = arith.addi %get3A_192, %add3A_193 : vector<16xi32>
      %swap3A_195 = arith.index_cast %scan3A_156 : i32 to index
      %swap3A_196 = arith.constant 48 : index
      %swap3A_197 = tpu.vector_load %arg10[%swap3A_195, %swap3A_196] {strides = array<i32>} : memref<79x128xi32, #tpu.memory_space<vmem>>, vector<1x16xi32>,
      %swap3A_198 = vector.shape_cast %swap3A_197 : vector<1x16xi32> to vector<16xi32>
      %swap3A_199 = vector.shape_cast %add3A_194 : vector<16xi32> to vector<1x16xi32>
      tpu.vector_store %arg10[%swap3A_195, %swap3A_196], %swap3A_199 {strides = array<i32>} : memref<79x128xi32, #tpu.memory_space<vmem>>, vector<1x16xi32>,
      %get3A_200 = arith.index_cast %scan3A_156 : i32 to index
      %get3A_201 = arith.constant 64 : index
      %get3A_202 = tpu.vector_load %arg9[%get3A_200, %get3A_201] {strides = array<i32>} : memref<79x128xi32, #tpu.memory_space<vmem>>, vector<1x16xi32>,
      %get3A_203 = vector.shape_cast %get3A_202 : vector<1x16xi32> to vector<16xi32>
      %add3A_204 = vector.broadcast %mul3A_7 : i32 to vector<16xi32>
      %add3A_205 = arith.addi %get3A_203, %add3A_204 : vector<16xi32>
      %swap3A_206 = arith.index_cast %scan3A_156 : i32 to index
      %swap3A_207 = arith.constant 64 : index
      %swap3A_208 = tpu.vector_load %arg10[%swap3A_206, %swap3A_207] {strides = array<i32>} : memref<79x128xi32, #tpu.memory_space<vmem>>, vector<1x16xi32>,
      %swap3A_209 = vector.shape_cast %swap3A_208 : vector<1x16xi32> to vector<16xi32>
      %swap3A_210 = vector.shape_cast %add3A_205 : vector<16xi32> to vector<1x16xi32>
      tpu.vector_store %arg10[%swap3A_206, %swap3A_207], %swap3A_210 {strides = array<i32>} : memref<79x128xi32, #tpu.memory_space<vmem>>, vector<1x16xi32>,
      %get3A_211 = arith.index_cast %scan3A_156 : i32 to index
      %get3A_212 = arith.constant 80 : index
      %get3A_213 = tpu.vector_load %arg9[%get3A_211, %get3A_212] {strides = array<i32>} : memref<79x128xi32, #tpu.memory_space<vmem>>, vector<1x16xi32>,
      %get3A_214 = vector.shape_cast %get3A_213 : vector<1x16xi32> to vector<16xi32>
      %add3A_215 = vector.broadcast %mul3A_7 : i32 to vector<16xi32>
      %add3A_216 = arith.addi %get3A_214, %add3A_215 : vector<16xi32>
      %swap3A_217 = arith.index_cast %scan3A_156 : i32 to index
      %swap3A_218 = arith.constant 80 : index
      %swap3A_219 = tpu.vector_load %arg10[%swap3A_217, %swap3A_218] {strides = array<i32>} : memref<79x128xi32, #tpu.memory_space<vmem>>, vector<1x16xi32>,
      %swap3A_220 = vector.shape_cast %swap3A_219 : vector<1x16xi32> to vector<16xi32>
      %swap3A_221 = vector.shape_cast %add3A_216 : vector<16xi32> to vector<1x16xi32>
      tpu.vector_store %arg10[%swap3A_217, %swap3A_218], %swap3A_221 {strides = array<i32>} : memref<79x128xi32, #tpu.memory_space<vmem>>, vector<1x16xi32>,
      %get3A_222 = arith.index_cast %scan3A_156 : i32 to index
      %get3A_223 = arith.constant 96 : index
      %get3A_224 = tpu.vector_load %arg9[%get3A_222, %get3A_223] {strides = array<i32>} : memref<79x128xi32, #tpu.memory_space<vmem>>, vector<1x16xi32>,
      %get3A_225 = vector.shape_cast %get3A_224 : vector<1x16xi32> to vector<16xi32>
      %add3A_226 = vector.broadcast %mul3A_7 : i32 to vector<16xi32>
      %add3A_227 = arith.addi %get3A_225, %add3A_226 : vector<16xi32>
      %swap3A_228 = arith.index_cast %scan3A_156 : i32 to index
      %swap3A_229 = arith.constant 96 : index
      %swap3A_230 = tpu.vector_load %arg10[%swap3A_228, %swap3A_229] {strides = array<i32>} : memref<79x128xi32, #tpu.memory_space<vmem>>, vector<1x16xi32>,
      %swap3A_231 = vector.shape_cast %swap3A_230 : vector<1x16xi32> to vector<16xi32>
      %swap3A_232 = vector.shape_cast %add3A_227 : vector<16xi32> to vector<1x16xi32>
      tpu.vector_store %arg10[%swap3A_228, %swap3A_229], %swap3A_232 {strides = array<i32>} : memref<79x128xi32, #tpu.memory_space<vmem>>, vector<1x16xi32>,
      %get3A_233 = arith.index_cast %scan3A_156 : i32 to index
      %get3A_234 = arith.constant 112 : index
      %get3A_235 = tpu.vector_load %arg9[%get3A_233, %get3A_234] {strides = array<i32>} : memref<79x128xi32, #tpu.memory_space<vmem>>, vector<1x16xi32>,
      %get3A_236 = vector.shape_cast %get3A_235 : vector<1x16xi32> to vector<16xi32>
      %add3A_237 = vector.broadcast %mul3A_7 : i32 to vector<16xi32>
      %add3A_238 = arith.addi %get3A_236, %add3A_237 : vector<16xi32>
      %swap3A_239 = arith.index_cast %scan3A_156 : i32 to index
      %swap3A_240 = arith.constant 112 : index
      %swap3A_241 = tpu.vector_load %arg10[%swap3A_239, %swap3A_240] {strides = array<i32>} : memref<79x128xi32, #tpu.memory_space<vmem>>, vector<1x16xi32>,
      %swap3A_242 = vector.shape_cast %swap3A_241 : vector<1x16xi32> to vector<16xi32>
      %swap3A_243 = vector.shape_cast %add3A_238 : vector<16xi32> to vector<1x16xi32>
      tpu.vector_store %arg10[%swap3A_239, %swap3A_240], %swap3A_243 {strides = array<i32>} : memref<79x128xi32, #tpu.memory_space<vmem>>, vector<1x16xi32>,
      %scan3A_244 = arith.constant 0 : i32
      scf.yield %scan3A_244 : i32
    }
    %scan3A_13 = arith.constant 79 : i32
    %scan3A_14 = arith.constant 0 : i32
    %scan3A_15 = arith.constant 0 : i32
    %scan3A_16 = arith.constant 632 : i32
    %scan3A_17 = arith.addi %scan3A_15, %scan3A_16 : i32
    %scan3A_18 = arith.constant 1 : i32
    %scan3A_19 = scf.for %scan3A_156 = %scan3A_15 to %scan3A_17 step %scan3A_18 iter_args(%scan3A_157 = %scan3A_14) -> (i32)  : i32 {
      %broadcast_in_dim3A = arith.constant 0.000000e+00 : f32
      %broadcast_in_dim3A_158 = vector.broadcast %broadcast_in_dim3A : f32 to vector<16xf32>
      %swap3A = arith.index_cast %scan3A_156 : i32 to index
      %swap3A_159 = arith.constant 0 : index
      %swap3A_160 = tpu.vector_load %arg14[%swap3A, %swap3A_159] {strides = array<i32>} : memref<632x16xf32, #tpu.memory_space<vmem>>, vector<1x16xf32>,
      %swap3A_161 = vector.shape_cast %swap3A_160 : vector<1x16xf32> to vector<16xf32>
      %swap3A_162 = vector.shape_cast %broadcast_in_dim3A_158 : vector<16xf32> to vector<1x16xf32>
      tpu.vector_store %arg14[%swap3A, %swap3A_159], %swap3A_162 {strides = array<i32>} : memref<632x16xf32, #tpu.memory_space<vmem>>, vector<1x16xf32>,
      %scan3A_163 = arith.constant 0 : i32
      scf.yield %scan3A_163 : i32
    }
    %scan3A_20 = arith.constant 632 : i32
    "tpu.region"() ({
      %run_scoped3A = tpu.sem_alloc : memref<!tpu.dma_semaphore, #tpu.memory_space<semaphore_mem>>
      %dma_start3A = arith.constant 0 : i32
      %dma_start3A_156 = tpu.memref_slice %arg7[%mul3A_2, %dma_start3A] : memref<10112x16xf32, #tpu.memory_space<vmem_shared>> -> memref<632x16xf32, #tpu.memory_space<vmem_shared>>
      %dma_start3A_157 = arith.constant 0 : i32
      %dma_start3A_158 = tpu.memref_slice %arg7[%mul3A_2, %dma_start3A_157] : memref<10112x16xf32, #tpu.memory_space<vmem_shared>> -> memref<632x16xf32, #tpu.memory_space<vmem_shared>>
      tpu.enqueue_dma source(%arg14 : memref<632x16xf32, #tpu.memory_space<vmem>>) target(%dma_start3A_158 : memref<632x16xf32, #tpu.memory_space<vmem_shared>>) target_semaphore(%run_scoped3A : memref<!tpu.dma_semaphore, #tpu.memory_space<semaphore_mem>>)
      %dma_wait3A = arith.constant 0 : i32
      %dma_wait3A_159 = tpu.memref_slice %arg7[%mul3A_2, %dma_wait3A] : memref<10112x16xf32, #tpu.memory_space<vmem_shared>> -> memref<632x16xf32, #tpu.memory_space<vmem_shared>>
      %dma_wait3A_160 = arith.constant 0 : i32
      %dma_wait3A_161 = tpu.memref_slice %arg7[%mul3A_2, %dma_wait3A_160] : memref<10112x16xf32, #tpu.memory_space<vmem_shared>> -> memref<632x16xf32, #tpu.memory_space<vmem_shared>>
      tpu.wait_dma2 semaphore(%run_scoped3A : memref<!tpu.dma_semaphore, #tpu.memory_space<semaphore_mem>>) src(%arg14 : memref<632x16xf32, #tpu.memory_space<vmem>>) dst(%dma_wait3A_161 : memref<632x16xf32, #tpu.memory_space<vmem_shared>>)
      tpu.yield
    }) : () -> ()
    %scan3A_21 = arith.constant 0 : i32
    %scan3A_22 = arith.constant 0 : i32
    %scan3A_23 = arith.constant 128 : i32
    %scan3A_24 = arith.addi %scan3A_22, %scan3A_23 : i32
    %scan3A_25 = arith.constant 1 : i32
    %scan3A_26 = scf.for %scan3A_156 = %scan3A_22 to %scan3A_24 step %scan3A_25 iter_args(%scan3A_157 = %scan3A_21) -> (i32)  : i32 {
      %broadcast_in_dim3A = arith.constant 1.000000e+00 : f32
      %broadcast_in_dim3A_158 = vector.broadcast %broadcast_in_dim3A : f32 to vector<16xf32>
      %swap3A = arith.index_cast %scan3A_156 : i32 to index
      %swap3A_159 = arith.constant 0 : index
      %swap3A_160 = tpu.vector_load %arg12[%swap3A, %swap3A_159] {strides = array<i32>} : memref<128x16xf32, #tpu.memory_space<vmem>>, vector<1x16xf32>,
      %swap3A_161 = vector.shape_cast %swap3A_160 : vector<1x16xf32> to vector<16xf32>
      %swap3A_162 = vector.shape_cast %broadcast_in_dim3A_158 : vector<16xf32> to vector<1x16xf32>
      tpu.vector_store %arg12[%swap3A, %swap3A_159], %swap3A_162 {strides = array<i32>} : memref<128x16xf32, #tpu.memory_space<vmem>>, vector<1x16xf32>,
      %scan3A_163 = arith.constant 0 : i32
      scf.yield %scan3A_163 : i32
    }
    %scan3A_27 = arith.constant 128 : i32
    %barrier3A = arith.constant 0 : index
    tpu.barrier barrier_id(%barrier3A)
    %scan3A_28 = arith.constant 0 : i32
    %scan3A_29 = arith.constant 0 : i32
    %scan3A_30 = arith.constant 79 : i32
    %scan3A_31 = arith.addi %scan3A_29, %scan3A_30 : i32
    %scan3A_32 = arith.constant 1 : i32
    %scan3A_33 = scf.for %scan3A_156 = %scan3A_29 to %scan3A_31 step %scan3A_32 iter_args(%scan3A_157 = %scan3A_28) -> (i32)  : i32 {
      "tpu.region"() ({
        %run_scoped3A = tpu.sem_alloc : memref<!tpu.dma_semaphore, #tpu.memory_space<semaphore_mem>>
        %dma_start3A = arith.constant 0 : i32
        %dma_start3A_159 = tpu.memref_slice %arg9[%scan3A_156, %dma_start3A] : memref<79x128xi32, #tpu.memory_space<vmem>> -> memref<1x128xi32, #tpu.memory_space<vmem>>
        %dma_start3A_160 = tpu.memref_squeeze %dma_start3A_159 : memref<1x128xi32, #tpu.memory_space<vmem>> -> memref<128xi32, #tpu.memory_space<vmem>>
        %dma_start3A_161 = arith.constant 0 : i32
        %dma_start3A_162 = arith.constant 0 : i32
        %dma_start3A_163 = tpu.memref_slice %arg7[%dma_start3A_161, %dma_start3A_162] : memref<10112x16xf32, #tpu.memory_space<vmem_shared>> -> memref<10112x16xf32, #tpu.memory_space<vmem_shared>>
        tpu.enqueue_indirect_dma source(%arg12 : memref<128x16xf32, #tpu.memory_space<vmem>>) target(%dma_start3A_163 : memref<10112x16xf32, #tpu.memory_space<vmem_shared>>) offsets(%dma_start3A_160 : memref<128xi32, #tpu.memory_space<vmem>>) semaphore(%run_scoped3A : memref<!tpu.dma_semaphore, #tpu.memory_space<semaphore_mem>>) {add = true}
        %dma_wait3A = arith.constant 0 : i32
        %dma_wait3A_164 = tpu.memref_slice %arg9[%scan3A_156, %dma_wait3A] : memref<79x128xi32, #tpu.memory_space<vmem>> -> memref<1x128xi32, #tpu.memory_space<vmem>>
        %dma_wait3A_165 = tpu.memref_squeeze %dma_wait3A_164 : memref<1x128xi32, #tpu.memory_space<vmem>> -> memref<128xi32, #tpu.memory_space<vmem>>
        %dma_wait3A_166 = arith.constant 0 : i32
        %dma_wait3A_167 = arith.constant 0 : i32
        %dma_wait3A_168 = tpu.memref_slice %arg7[%dma_wait3A_166, %dma_wait3A_167] : memref<10112x16xf32, #tpu.memory_space<vmem_shared>> -> memref<10112x16xf32, #tpu.memory_space<vmem_shared>>
        tpu.wait_indirect_dma semaphore(%run_scoped3A : memref<!tpu.dma_semaphore, #tpu.memory_space<semaphore_mem>>) src(%arg12 : memref<128x16xf32, #tpu.memory_space<vmem>>) dst(%dma_wait3A_168 : memref<10112x16xf32, #tpu.memory_space<vmem_shared>>)
        tpu.yield
      }) : () -> ()
      %scan3A_158 = arith.constant 0 : i32
      scf.yield %scan3A_158 : i32
    }
    %scan3A_34 = arith.constant 79 : i32
    %barrier3A_35 = arith.constant 0 : index
    tpu.barrier barrier_id(%barrier3A_35)
    "tpu.region"() ({
      %run_scoped3A = tpu.sem_alloc : memref<!tpu.dma_semaphore, #tpu.memory_space<semaphore_mem>>
      %dma_start3A = arith.constant 0 : i32
      %dma_start3A_156 = tpu.memref_slice %arg7[%mul3A_2, %dma_start3A] : memref<10112x16xf32, #tpu.memory_space<vmem_shared>> -> memref<632x16xf32, #tpu.memory_space<vmem_shared>>
      %dma_start3A_157 = arith.constant 0 : i32
      %dma_start3A_158 = tpu.memref_slice %arg7[%mul3A_2, %dma_start3A_157] : memref<10112x16xf32, #tpu.memory_space<vmem_shared>> -> memref<632x16xf32, #tpu.memory_space<vmem_shared>>
      tpu.enqueue_dma source(%dma_start3A_158 : memref<632x16xf32, #tpu.memory_space<vmem_shared>>) target(%arg14 : memref<632x16xf32, #tpu.memory_space<vmem>>) target_semaphore(%run_scoped3A : memref<!tpu.dma_semaphore, #tpu.memory_space<semaphore_mem>>)
      %dma_wait3A = arith.constant 0 : i32
      %dma_wait3A_159 = tpu.memref_slice %arg7[%mul3A_2, %dma_wait3A] : memref<10112x16xf32, #tpu.memory_space<vmem_shared>> -> memref<632x16xf32, #tpu.memory_space<vmem_shared>>
      %dma_wait3A_160 = arith.constant 0 : i32
      %dma_wait3A_161 = tpu.memref_slice %arg7[%mul3A_2, %dma_wait3A_160] : memref<10112x16xf32, #tpu.memory_space<vmem_shared>> -> memref<632x16xf32, #tpu.memory_space<vmem_shared>>
      tpu.wait_dma2 semaphore(%run_scoped3A : memref<!tpu.dma_semaphore, #tpu.memory_space<semaphore_mem>>) src(%dma_wait3A_161 : memref<632x16xf32, #tpu.memory_space<vmem_shared>>) dst(%arg14 : memref<632x16xf32, #tpu.memory_space<vmem>>)
      tpu.yield
    }) : () -> ()
    "tpu.region"() ({
      %run_scoped3A = tpu.sem_alloc : memref<!tpu.dma_semaphore, #tpu.memory_space<semaphore_mem>>
      %dma_start3A = arith.constant 0 : i32
      %dma_start3A_156 = tpu.memref_slice %arg2[%add3A_5, %dma_start3A] : memref<20224x16xf32, #tpu.memory_space<hbm>> -> memref<632x16xf32, #tpu.memory_space<hbm>>
      %dma_start3A_157 = arith.constant 0 : i32
      %dma_start3A_158 = tpu.memref_slice %arg2[%add3A_5, %dma_start3A_157] : memref<20224x16xf32, #tpu.memory_space<hbm>> -> memref<632x16xf32, #tpu.memory_space<hbm>>
      tpu.enqueue_dma source(%dma_start3A_158 : memref<632x16xf32, #tpu.memory_space<hbm>>) target(%arg16 : memref<632x16xf32, #tpu.memory_space<vmem>>) target_semaphore(%run_scoped3A : memref<!tpu.dma_semaphore, #tpu.memory_space<semaphore_mem>>)
      %dma_wait3A = arith.constant 0 : i32
      %dma_wait3A_159 = tpu.memref_slice %arg2[%add3A_5, %dma_wait3A] : memref<20224x16xf32, #tpu.memory_space<hbm>> -> memref<632x16xf32, #tpu.memory_space<hbm>>
      %dma_wait3A_160 = arith.constant 0 : i32
      %dma_wait3A_161 = tpu.memref_slice %arg2[%add3A_5, %dma_wait3A_160] : memref<20224x16xf32, #tpu.memory_space<hbm>> -> memref<632x16xf32, #tpu.memory_space<hbm>>
      tpu.wait_dma2 semaphore(%run_scoped3A : memref<!tpu.dma_semaphore, #tpu.memory_space<semaphore_mem>>) src(%dma_wait3A_161 : memref<632x16xf32, #tpu.memory_space<hbm>>) dst(%arg16 : memref<632x16xf32, #tpu.memory_space<vmem>>)
      tpu.yield
    }) : () -> ()
    %scan3A_36 = arith.constant 0 : i32
    %scan3A_37 = arith.constant 0 : i32
    %scan3A_38 = arith.constant 632 : i32
    %scan3A_39 = arith.addi %scan3A_37, %scan3A_38 : i32
    %scan3A_40 = arith.constant 1 : i32
    %scan3A_41 = scf.for %scan3A_156 = %scan3A_37 to %scan3A_39 step %scan3A_40 iter_args(%scan3A_157 = %scan3A_36) -> (i32)  : i32 {
      %get3A = arith.index_cast %scan3A_156 : i32 to index
      %get3A_158 = arith.constant 0 : index
      %get3A_159 = tpu.vector_load %arg14[%get3A, %get3A_158] {strides = array<i32>} : memref<632x16xf32, #tpu.memory_space<vmem>>, vector<1x16xf32>,
      %get3A_160 = vector.shape_cast %get3A_159 : vector<1x16xf32> to vector<16xf32>
      %max3A = arith.constant 1.000000e+00 : f32
      %max3A_161 = vector.broadcast %max3A : f32 to vector<16xf32>
      %max3A_162 = arith.maximumf %get3A_160, %max3A_161 : vector<16xf32>
      %bitcast_convert_type3A = tpu.bitcast %max3A_162 : vector<16xf32> -> vector<16xi32>
      %shift_right_arithmetic3A = arith.constant 1 : i32
      %shift_right_arithmetic3A_163 = vector.broadcast %shift_right_arithmetic3A : i32 to vector<16xi32>
      %shift_right_arithmetic3A_164 = arith.shrsi %bitcast_convert_type3A, %shift_right_arithmetic3A_163 : vector<16xi32>
      %sub3A = arith.constant 1597463007 : i32
      %sub3A_165 = vector.broadcast %sub3A : i32 to vector<16xi32>
      %sub3A_166 = arith.subi %sub3A_165, %shift_right_arithmetic3A_164 : vector<16xi32>
      %bitcast_convert_type3A_167 = tpu.bitcast %sub3A_166 : vector<16xi32> -> vector<16xf32>
      %mul3A_168 = arith.constant 5.000000e-01 : f32
      %mul3A_169 = vector.broadcast %mul3A_168 : f32 to vector<16xf32>
      %mul3A_170 = arith.mulf %mul3A_169, %max3A_162 : vector<16xf32>
      %mul3A_171 = arith.mulf %mul3A_170, %bitcast_convert_type3A_167 : vector<16xf32>
      %mul3A_172 = arith.mulf %mul3A_171, %bitcast_convert_type3A_167 : vector<16xf32>
      %sub3A_173 = arith.constant 1.500000e+00 : f32
      %sub3A_174 = vector.broadcast %sub3A_173 : f32 to vector<16xf32>
      %sub3A_175 = arith.subf %sub3A_174, %mul3A_172 : vector<16xf32>
      %mul3A_176 = arith.mulf %bitcast_convert_type3A_167, %sub3A_175 : vector<16xf32>
      %mul3A_177 = arith.constant 5.000000e-01 : f32
      %mul3A_178 = vector.broadcast %mul3A_177 : f32 to vector<16xf32>
      %mul3A_179 = arith.mulf %mul3A_178, %max3A_162 : vector<16xf32>
      %mul3A_180 = arith.mulf %mul3A_179, %mul3A_176 : vector<16xf32>
      %mul3A_181 = arith.mulf %mul3A_180, %mul3A_176 : vector<16xf32>
      %sub3A_182 = arith.constant 1.500000e+00 : f32
      %sub3A_183 = vector.broadcast %sub3A_182 : f32 to vector<16xf32>
      %sub3A_184 = arith.subf %sub3A_183, %mul3A_181 : vector<16xf32>
      %mul3A_185 = arith.mulf %mul3A_176, %sub3A_184 : vector<16xf32>
      %mul3A_186 = arith.constant 5.000000e-01 : f32
      %mul3A_187 = vector.broadcast %mul3A_186 : f32 to vector<16xf32>
      %mul3A_188 = arith.mulf %mul3A_187, %max3A_162 : vector<16xf32>
      %mul3A_189 = arith.mulf %mul3A_188, %mul3A_185 : vector<16xf32>
      %mul3A_190 = arith.mulf %mul3A_189, %mul3A_185 : vector<16xf32>
      %sub3A_191 = arith.constant 1.500000e+00 : f32
      %sub3A_192 = vector.broadcast %sub3A_191 : f32 to vector<16xf32>
      %sub3A_193 = arith.subf %sub3A_192, %mul3A_190 : vector<16xf32>
      %mul3A_194 = arith.mulf %mul3A_185, %sub3A_193 : vector<16xf32>
      %ge3A = arith.constant 5.000000e-01 : f32
      %ge3A_195 = vector.broadcast %ge3A : f32 to vector<16xf32>
      %ge3A_196 = arith.cmpf oge, %get3A_160, %ge3A_195 : vector<16xf32>
      %jit3A = arith.constant 0.000000e+00 : f32
      %broadcast_in_dim3A = vector.broadcast %jit3A : f32 to vector<16xf32>
      %select_n3A = arith.select %ge3A_196, %mul3A_194, %broadcast_in_dim3A : vector<16xi1>, vector<16xf32>
      %swap3A = arith.index_cast %scan3A_156 : i32 to index
      %swap3A_197 = arith.constant 0 : index
      %swap3A_198 = tpu.vector_load %arg13[%swap3A, %swap3A_197] {strides = array<i32>} : memref<632x16xf32, #tpu.memory_space<vmem>>, vector<1x16xf32>,
      %swap3A_199 = vector.shape_cast %swap3A_198 : vector<1x16xf32> to vector<16xf32>
      %swap3A_200 = vector.shape_cast %select_n3A : vector<16xf32> to vector<1x16xf32>
      tpu.vector_store %arg13[%swap3A, %swap3A_197], %swap3A_200 {strides = array<i32>} : memref<632x16xf32, #tpu.memory_space<vmem>>, vector<1x16xf32>,
      %get3A_201 = arith.index_cast %scan3A_156 : i32 to index
      %get3A_202 = arith.constant 0 : index
      %get3A_203 = tpu.vector_load %arg16[%get3A_201, %get3A_202] {strides = array<i32>} : memref<632x16xf32, #tpu.memory_space<vmem>>, vector<1x16xf32>,
      %get3A_204 = vector.shape_cast %get3A_203 : vector<1x16xf32> to vector<16xf32>
      %mul3A_205 = arith.mulf %select_n3A, %get3A_204 : vector<16xf32>
      %swap3A_206 = arith.index_cast %scan3A_156 : i32 to index
      %swap3A_207 = arith.constant 0 : index
      %swap3A_208 = tpu.vector_load %arg14[%swap3A_206, %swap3A_207] {strides = array<i32>} : memref<632x16xf32, #tpu.memory_space<vmem>>, vector<1x16xf32>,
      %swap3A_209 = vector.shape_cast %swap3A_208 : vector<1x16xf32> to vector<16xf32>
      %swap3A_210 = vector.shape_cast %mul3A_205 : vector<16xf32> to vector<1x16xf32>
      tpu.vector_store %arg14[%swap3A_206, %swap3A_207], %swap3A_210 {strides = array<i32>} : memref<632x16xf32, #tpu.memory_space<vmem>>, vector<1x16xf32>,
      %scan3A_211 = arith.constant 0 : i32
      scf.yield %scan3A_211 : i32
    }
    %scan3A_42 = arith.constant 632 : i32
    "tpu.region"() ({
      %run_scoped3A = tpu.sem_alloc : memref<!tpu.dma_semaphore, #tpu.memory_space<semaphore_mem>>
      %dma_start3A = arith.constant 0 : i32
      %dma_start3A_156 = tpu.memref_slice %arg6[%add3A_5, %dma_start3A] : memref<20224x16xf32, #tpu.memory_space<hbm>> -> memref<632x16xf32, #tpu.memory_space<hbm>>
      %dma_start3A_157 = arith.constant 0 : i32
      %dma_start3A_158 = tpu.memref_slice %arg6[%add3A_5, %dma_start3A_157] : memref<20224x16xf32, #tpu.memory_space<hbm>> -> memref<632x16xf32, #tpu.memory_space<hbm>>
      tpu.enqueue_dma source(%arg14 : memref<632x16xf32, #tpu.memory_space<vmem>>) target(%dma_start3A_158 : memref<632x16xf32, #tpu.memory_space<hbm>>) target_semaphore(%run_scoped3A : memref<!tpu.dma_semaphore, #tpu.memory_space<semaphore_mem>>)
      %dma_wait3A = arith.constant 0 : i32
      %dma_wait3A_159 = tpu.memref_slice %arg6[%add3A_5, %dma_wait3A] : memref<20224x16xf32, #tpu.memory_space<hbm>> -> memref<632x16xf32, #tpu.memory_space<hbm>>
      %dma_wait3A_160 = arith.constant 0 : i32
      %dma_wait3A_161 = tpu.memref_slice %arg6[%add3A_5, %dma_wait3A_160] : memref<20224x16xf32, #tpu.memory_space<hbm>> -> memref<632x16xf32, #tpu.memory_space<hbm>>
      tpu.wait_dma2 semaphore(%run_scoped3A : memref<!tpu.dma_semaphore, #tpu.memory_space<semaphore_mem>>) src(%arg14 : memref<632x16xf32, #tpu.memory_space<vmem>>) dst(%dma_wait3A_161 : memref<632x16xf32, #tpu.memory_space<hbm>>)
      tpu.yield
    }) : () -> ()
    %barrier3A_43 = arith.constant 0 : index
    tpu.barrier barrier_id(%barrier3A_43)
    %scan3A_44 = arith.constant 0 : i32
    %scan3A_45 = arith.constant 0 : i32
    %scan3A_46 = arith.constant 632 : i32
    %scan3A_47 = arith.addi %scan3A_45, %scan3A_46 : i32
    %scan3A_48 = arith.constant 1 : i32
    %scan3A_49 = scf.for %scan3A_156 = %scan3A_45 to %scan3A_47 step %scan3A_48 iter_args(%scan3A_157 = %scan3A_44) -> (i32)  : i32 {
      %broadcast_in_dim3A = arith.constant 0.000000e+00 : f32
      %broadcast_in_dim3A_158 = vector.broadcast %broadcast_in_dim3A : f32 to vector<16xf32>
      %swap3A = arith.index_cast %scan3A_156 : i32 to index
      %swap3A_159 = arith.constant 0 : index
      %swap3A_160 = tpu.vector_load %arg14[%swap3A, %swap3A_159] {strides = array<i32>} : memref<632x16xf32, #tpu.memory_space<vmem>>, vector<1x16xf32>,
      %swap3A_161 = vector.shape_cast %swap3A_160 : vector<1x16xf32> to vector<16xf32>
      %swap3A_162 = vector.shape_cast %broadcast_in_dim3A_158 : vector<16xf32> to vector<1x16xf32>
      tpu.vector_store %arg14[%swap3A, %swap3A_159], %swap3A_162 {strides = array<i32>} : memref<632x16xf32, #tpu.memory_space<vmem>>, vector<1x16xf32>,
      %scan3A_163 = arith.constant 0 : i32
      scf.yield %scan3A_163 : i32
    }
    %scan3A_50 = arith.constant 632 : i32
    "tpu.region"() ({
      %run_scoped3A = tpu.sem_alloc : memref<!tpu.dma_semaphore, #tpu.memory_space<semaphore_mem>>
      %dma_start3A = arith.constant 0 : i32
      %dma_start3A_156 = tpu.memref_slice %arg8[%mul3A_2, %dma_start3A] : memref<10112x16xf32, #tpu.memory_space<vmem_shared>> -> memref<632x16xf32, #tpu.memory_space<vmem_shared>>
      %dma_start3A_157 = arith.constant 0 : i32
      %dma_start3A_158 = tpu.memref_slice %arg8[%mul3A_2, %dma_start3A_157] : memref<10112x16xf32, #tpu.memory_space<vmem_shared>> -> memref<632x16xf32, #tpu.memory_space<vmem_shared>>
      tpu.enqueue_dma source(%arg14 : memref<632x16xf32, #tpu.memory_space<vmem>>) target(%dma_start3A_158 : memref<632x16xf32, #tpu.memory_space<vmem_shared>>) target_semaphore(%run_scoped3A : memref<!tpu.dma_semaphore, #tpu.memory_space<semaphore_mem>>)
      %dma_wait3A = arith.constant 0 : i32
      %dma_wait3A_159 = tpu.memref_slice %arg8[%mul3A_2, %dma_wait3A] : memref<10112x16xf32, #tpu.memory_space<vmem_shared>> -> memref<632x16xf32, #tpu.memory_space<vmem_shared>>
      %dma_wait3A_160 = arith.constant 0 : i32
      %dma_wait3A_161 = tpu.memref_slice %arg8[%mul3A_2, %dma_wait3A_160] : memref<10112x16xf32, #tpu.memory_space<vmem_shared>> -> memref<632x16xf32, #tpu.memory_space<vmem_shared>>
      tpu.wait_dma2 semaphore(%run_scoped3A : memref<!tpu.dma_semaphore, #tpu.memory_space<semaphore_mem>>) src(%arg14 : memref<632x16xf32, #tpu.memory_space<vmem>>) dst(%dma_wait3A_161 : memref<632x16xf32, #tpu.memory_space<vmem_shared>>)
      tpu.yield
    }) : () -> ()
    %barrier3A_51 = arith.constant 0 : index
    tpu.barrier barrier_id(%barrier3A_51)
    %scan3A_52 = arith.constant 0 : i32
    %scan3A_53 = arith.constant 0 : i32
    %scan3A_54 = arith.constant 79 : i32
    %scan3A_55 = arith.addi %scan3A_53, %scan3A_54 : i32
    %scan3A_56 = arith.constant 1 : i32
    %scan3A_57 = scf.for %scan3A_156 = %scan3A_53 to %scan3A_55 step %scan3A_56 iter_args(%scan3A_157 = %scan3A_52) -> (i32)  : i32 {
      %dma_start3A = arith.constant 0 : i32
      %dma_start3A_158 = tpu.memref_slice %arg10[%scan3A_156, %dma_start3A] : memref<79x128xi32, #tpu.memory_space<vmem>> -> memref<1x128xi32, #tpu.memory_space<vmem>>
      %dma_start3A_159 = tpu.memref_squeeze %dma_start3A_158 : memref<1x128xi32, #tpu.memory_space<vmem>> -> memref<128xi32, #tpu.memory_space<vmem>>
      %dma_start3A_160 = arith.constant 0 : i32
      %dma_start3A_161 = arith.constant 0 : i32
      %dma_start3A_162 = tpu.memref_slice %arg6[%dma_start3A_160, %dma_start3A_161] : memref<20224x16xf32, #tpu.memory_space<hbm>> -> memref<20224x16xf32, #tpu.memory_space<hbm>>
      tpu.enqueue_indirect_dma source(%dma_start3A_162 : memref<20224x16xf32, #tpu.memory_space<hbm>>) target(%arg12 : memref<128x16xf32, #tpu.memory_space<vmem>>) offsets(%dma_start3A_159 : memref<128xi32, #tpu.memory_space<vmem>>) semaphore(%arg17 : memref<!tpu.dma_semaphore, #tpu.memory_space<semaphore_mem>>)
      %dma_wait3A = arith.constant 0 : i32
      %dma_wait3A_163 = tpu.memref_slice %arg10[%scan3A_156, %dma_wait3A] : memref<79x128xi32, #tpu.memory_space<vmem>> -> memref<1x128xi32, #tpu.memory_space<vmem>>
      %dma_wait3A_164 = tpu.memref_squeeze %dma_wait3A_163 : memref<1x128xi32, #tpu.memory_space<vmem>> -> memref<128xi32, #tpu.memory_space<vmem>>
      %dma_wait3A_165 = arith.constant 0 : i32
      %dma_wait3A_166 = arith.constant 0 : i32
      %dma_wait3A_167 = tpu.memref_slice %arg6[%dma_wait3A_165, %dma_wait3A_166] : memref<20224x16xf32, #tpu.memory_space<hbm>> -> memref<20224x16xf32, #tpu.memory_space<hbm>>
      tpu.wait_indirect_dma semaphore(%arg17 : memref<!tpu.dma_semaphore, #tpu.memory_space<semaphore_mem>>) src(%dma_wait3A_167 : memref<20224x16xf32, #tpu.memory_space<hbm>>) dst(%arg12 : memref<128x16xf32, #tpu.memory_space<vmem>>)
      "tpu.region"() ({
        %run_scoped3A = tpu.sem_alloc : memref<!tpu.dma_semaphore, #tpu.memory_space<semaphore_mem>>
        %dma_start3A_169 = arith.constant 0 : i32
        %dma_start3A_170 = tpu.memref_slice %arg11[%scan3A_156, %dma_start3A_169] : memref<79x128xi32, #tpu.memory_space<vmem>> -> memref<1x128xi32, #tpu.memory_space<vmem>>
        %dma_start3A_171 = tpu.memref_squeeze %dma_start3A_170 : memref<1x128xi32, #tpu.memory_space<vmem>> -> memref<128xi32, #tpu.memory_space<vmem>>
        %dma_start3A_172 = arith.constant 0 : i32
        %dma_start3A_173 = arith.constant 0 : i32
        %dma_start3A_174 = tpu.memref_slice %arg8[%dma_start3A_172, %dma_start3A_173] : memref<10112x16xf32, #tpu.memory_space<vmem_shared>> -> memref<10112x16xf32, #tpu.memory_space<vmem_shared>>
        tpu.enqueue_indirect_dma source(%arg12 : memref<128x16xf32, #tpu.memory_space<vmem>>) target(%dma_start3A_174 : memref<10112x16xf32, #tpu.memory_space<vmem_shared>>) offsets(%dma_start3A_171 : memref<128xi32, #tpu.memory_space<vmem>>) semaphore(%run_scoped3A : memref<!tpu.dma_semaphore, #tpu.memory_space<semaphore_mem>>) {add = true}
        %dma_wait3A_175 = arith.constant 0 : i32
        %dma_wait3A_176 = tpu.memref_slice %arg11[%scan3A_156, %dma_wait3A_175] : memref<79x128xi32, #tpu.memory_space<vmem>> -> memref<1x128xi32, #tpu.memory_space<vmem>>
        %dma_wait3A_177 = tpu.memref_squeeze %dma_wait3A_176 : memref<1x128xi32, #tpu.memory_space<vmem>> -> memref<128xi32, #tpu.memory_space<vmem>>
        %dma_wait3A_178 = arith.constant 0 : i32
        %dma_wait3A_179 = arith.constant 0 : i32
        %dma_wait3A_180 = tpu.memref_slice %arg8[%dma_wait3A_178, %dma_wait3A_179] : memref<10112x16xf32, #tpu.memory_space<vmem_shared>> -> memref<10112x16xf32, #tpu.memory_space<vmem_shared>>
        tpu.wait_indirect_dma semaphore(%run_scoped3A : memref<!tpu.dma_semaphore, #tpu.memory_space<semaphore_mem>>) src(%arg12 : memref<128x16xf32, #tpu.memory_space<vmem>>) dst(%dma_wait3A_180 : memref<10112x16xf32, #tpu.memory_space<vmem_shared>>)
        tpu.yield
      }) : () -> ()
      %scan3A_168 = arith.constant 0 : i32
      scf.yield %scan3A_168 : i32
    }
    %scan3A_58 = arith.constant 79 : i32
    %barrier3A_59 = arith.constant 0 : index
    tpu.barrier barrier_id(%barrier3A_59)
    "tpu.region"() ({
      %run_scoped3A = tpu.sem_alloc : memref<!tpu.dma_semaphore, #tpu.memory_space<semaphore_mem>>
      %dma_start3A = arith.constant 0 : i32
      %dma_start3A_156 = tpu.memref_slice %arg8[%mul3A_2, %dma_start3A] : memref<10112x16xf32, #tpu.memory_space<vmem_shared>> -> memref<632x16xf32, #tpu.memory_space<vmem_shared>>
      %dma_start3A_157 = arith.constant 0 : i32
      %dma_start3A_158 = tpu.memref_slice %arg8[%mul3A_2, %dma_start3A_157] : memref<10112x16xf32, #tpu.memory_space<vmem_shared>> -> memref<632x16xf32, #tpu.memory_space<vmem_shared>>
      tpu.enqueue_dma source(%dma_start3A_158 : memref<632x16xf32, #tpu.memory_space<vmem_shared>>) target(%arg14 : memref<632x16xf32, #tpu.memory_space<vmem>>) target_semaphore(%run_scoped3A : memref<!tpu.dma_semaphore, #tpu.memory_space<semaphore_mem>>)
      %dma_wait3A = arith.constant 0 : i32
      %dma_wait3A_159 = tpu.memref_slice %arg8[%mul3A_2, %dma_wait3A] : memref<10112x16xf32, #tpu.memory_space<vmem_shared>> -> memref<632x16xf32, #tpu.memory_space<vmem_shared>>
      %dma_wait3A_160 = arith.constant 0 : i32
      %dma_wait3A_161 = tpu.memref_slice %arg8[%mul3A_2, %dma_wait3A_160] : memref<10112x16xf32, #tpu.memory_space<vmem_shared>> -> memref<632x16xf32, #tpu.memory_space<vmem_shared>>
      tpu.wait_dma2 semaphore(%run_scoped3A : memref<!tpu.dma_semaphore, #tpu.memory_space<semaphore_mem>>) src(%dma_wait3A_161 : memref<632x16xf32, #tpu.memory_space<vmem_shared>>) dst(%arg14 : memref<632x16xf32, #tpu.memory_space<vmem>>)
      tpu.yield
    }) : () -> ()
    %scan3A_60 = arith.constant 0 : i32
    %scan3A_61 = arith.constant 0 : i32
    %scan3A_62 = arith.constant 632 : i32
    %scan3A_63 = arith.addi %scan3A_61, %scan3A_62 : i32
    %scan3A_64 = arith.constant 1 : i32
    %scan3A_65 = scf.for %scan3A_156 = %scan3A_61 to %scan3A_63 step %scan3A_64 iter_args(%scan3A_157 = %scan3A_60) -> (i32)  : i32 {
      %get3A = arith.index_cast %scan3A_156 : i32 to index
      %get3A_158 = arith.constant 0 : index
      %get3A_159 = tpu.vector_load %arg13[%get3A, %get3A_158] {strides = array<i32>} : memref<632x16xf32, #tpu.memory_space<vmem>>, vector<1x16xf32>,
      %get3A_160 = vector.shape_cast %get3A_159 : vector<1x16xf32> to vector<16xf32>
      %get3A_161 = arith.index_cast %scan3A_156 : i32 to index
      %get3A_162 = arith.constant 0 : index
      %get3A_163 = tpu.vector_load %arg14[%get3A_161, %get3A_162] {strides = array<i32>} : memref<632x16xf32, #tpu.memory_space<vmem>>, vector<1x16xf32>,
      %get3A_164 = vector.shape_cast %get3A_163 : vector<1x16xf32> to vector<16xf32>
      %mul3A_165 = arith.mulf %get3A_160, %get3A_164 : vector<16xf32>
      %neg3A = arith.constant 0.000000e+00 : f32
      %neg3A_166 = vector.broadcast %neg3A : f32 to vector<16xf32>
      %neg3A_167 = arith.subf %neg3A_166, %mul3A_165 : vector<16xf32>
      %swap3A = arith.index_cast %scan3A_156 : i32 to index
      %swap3A_168 = arith.constant 0 : index
      %swap3A_169 = tpu.vector_load %arg15[%swap3A, %swap3A_168] {strides = array<i32>} : memref<632x16xf32, #tpu.memory_space<vmem>>, vector<1x16xf32>,
      %swap3A_170 = vector.shape_cast %swap3A_169 : vector<1x16xf32> to vector<16xf32>
      %swap3A_171 = vector.shape_cast %neg3A_167 : vector<16xf32> to vector<1x16xf32>
      tpu.vector_store %arg15[%swap3A, %swap3A_168], %swap3A_171 {strides = array<i32>} : memref<632x16xf32, #tpu.memory_space<vmem>>, vector<1x16xf32>,
      %get3A_172 = arith.index_cast %scan3A_156 : i32 to index
      %get3A_173 = arith.constant 0 : index
      %get3A_174 = tpu.vector_load %arg13[%get3A_172, %get3A_173] {strides = array<i32>} : memref<632x16xf32, #tpu.memory_space<vmem>>, vector<1x16xf32>,
      %get3A_175 = vector.shape_cast %get3A_174 : vector<1x16xf32> to vector<16xf32>
      %mul3A_176 = arith.mulf %get3A_175, %neg3A_167 : vector<16xf32>
      %swap3A_177 = arith.index_cast %scan3A_156 : i32 to index
      %swap3A_178 = arith.constant 0 : index
      %swap3A_179 = tpu.vector_load %arg14[%swap3A_177, %swap3A_178] {strides = array<i32>} : memref<632x16xf32, #tpu.memory_space<vmem>>, vector<1x16xf32>,
      %swap3A_180 = vector.shape_cast %swap3A_179 : vector<1x16xf32> to vector<16xf32>
      %swap3A_181 = vector.shape_cast %mul3A_176 : vector<16xf32> to vector<1x16xf32>
      tpu.vector_store %arg14[%swap3A_177, %swap3A_178], %swap3A_181 {strides = array<i32>} : memref<632x16xf32, #tpu.memory_space<vmem>>, vector<1x16xf32>,
      %scan3A_182 = arith.constant 0 : i32
      scf.yield %scan3A_182 : i32
    }
    %scan3A_66 = arith.constant 632 : i32
    %mul3A_67 = arith.constant 4 : i32
    %mul3A_68 = arith.muli %arg0, %mul3A_67 : i32
    %add3A_69 = arith.constant 0 : i32
    %add3A_70 = arith.addi %mul3A_68, %add3A_69 : i32
    "tpu.region"() ({
      %run_scoped3A = tpu.sem_alloc : memref<!tpu.dma_semaphore, #tpu.memory_space<semaphore_mem>>
      %dma_start3A = arith.constant 0 : i32
      %dma_start3A_156 = tpu.memref_slice %arg5[%add3A_70, %mul3A_2, %dma_start3A] : memref<8x10112x16xf32, #tpu.memory_space<hbm>> -> memref<1x632x16xf32, #tpu.memory_space<hbm>>
      %dma_start3A_157 = tpu.memref_squeeze %dma_start3A_156 : memref<1x632x16xf32, #tpu.memory_space<hbm>> -> memref<632x16xf32, #tpu.memory_space<hbm>>
      %dma_start3A_158 = arith.constant 0 : i32
      %dma_start3A_159 = tpu.memref_slice %arg5[%add3A_70, %mul3A_2, %dma_start3A_158] : memref<8x10112x16xf32, #tpu.memory_space<hbm>> -> memref<1x632x16xf32, #tpu.memory_space<hbm>>
      %dma_start3A_160 = tpu.memref_squeeze %dma_start3A_159 : memref<1x632x16xf32, #tpu.memory_space<hbm>> -> memref<632x16xf32, #tpu.memory_space<hbm>>
      tpu.enqueue_dma source(%arg15 : memref<632x16xf32, #tpu.memory_space<vmem>>) target(%dma_start3A_160 : memref<632x16xf32, #tpu.memory_space<hbm>>) target_semaphore(%run_scoped3A : memref<!tpu.dma_semaphore, #tpu.memory_space<semaphore_mem>>)
      %dma_wait3A = arith.constant 0 : i32
      %dma_wait3A_161 = tpu.memref_slice %arg5[%add3A_70, %mul3A_2, %dma_wait3A] : memref<8x10112x16xf32, #tpu.memory_space<hbm>> -> memref<1x632x16xf32, #tpu.memory_space<hbm>>
      %dma_wait3A_162 = tpu.memref_squeeze %dma_wait3A_161 : memref<1x632x16xf32, #tpu.memory_space<hbm>> -> memref<632x16xf32, #tpu.memory_space<hbm>>
      %dma_wait3A_163 = arith.constant 0 : i32
      %dma_wait3A_164 = tpu.memref_slice %arg5[%add3A_70, %mul3A_2, %dma_wait3A_163] : memref<8x10112x16xf32, #tpu.memory_space<hbm>> -> memref<1x632x16xf32, #tpu.memory_space<hbm>>
      %dma_wait3A_165 = tpu.memref_squeeze %dma_wait3A_164 : memref<1x632x16xf32, #tpu.memory_space<hbm>> -> memref<632x16xf32, #tpu.memory_space<hbm>>
      tpu.wait_dma2 semaphore(%run_scoped3A : memref<!tpu.dma_semaphore, #tpu.memory_space<semaphore_mem>>) src(%arg15 : memref<632x16xf32, #tpu.memory_space<vmem>>) dst(%dma_wait3A_165 : memref<632x16xf32, #tpu.memory_space<hbm>>)
      tpu.yield
    }) : () -> ()
    "tpu.region"() ({
      %run_scoped3A = tpu.sem_alloc : memref<!tpu.dma_semaphore, #tpu.memory_space<semaphore_mem>>
      %dma_start3A = arith.constant 0 : i32
      %dma_start3A_156 = tpu.memref_slice %arg6[%add3A_5, %dma_start3A] : memref<20224x16xf32, #tpu.memory_space<hbm>> -> memref<632x16xf32, #tpu.memory_space<hbm>>
      %dma_start3A_157 = arith.constant 0 : i32
      %dma_start3A_158 = tpu.memref_slice %arg6[%add3A_5, %dma_start3A_157] : memref<20224x16xf32, #tpu.memory_space<hbm>> -> memref<632x16xf32, #tpu.memory_space<hbm>>
      tpu.enqueue_dma source(%arg14 : memref<632x16xf32, #tpu.memory_space<vmem>>) target(%dma_start3A_158 : memref<632x16xf32, #tpu.memory_space<hbm>>) target_semaphore(%run_scoped3A : memref<!tpu.dma_semaphore, #tpu.memory_space<semaphore_mem>>)
      %dma_wait3A = arith.constant 0 : i32
      %dma_wait3A_159 = tpu.memref_slice %arg6[%add3A_5, %dma_wait3A] : memref<20224x16xf32, #tpu.memory_space<hbm>> -> memref<632x16xf32, #tpu.memory_space<hbm>>
      %dma_wait3A_160 = arith.constant 0 : i32
      %dma_wait3A_161 = tpu.memref_slice %arg6[%add3A_5, %dma_wait3A_160] : memref<20224x16xf32, #tpu.memory_space<hbm>> -> memref<632x16xf32, #tpu.memory_space<hbm>>
      tpu.wait_dma2 semaphore(%run_scoped3A : memref<!tpu.dma_semaphore, #tpu.memory_space<semaphore_mem>>) src(%arg14 : memref<632x16xf32, #tpu.memory_space<vmem>>) dst(%dma_wait3A_161 : memref<632x16xf32, #tpu.memory_space<hbm>>)
      tpu.yield
    }) : () -> ()
    %barrier3A_71 = arith.constant 0 : index
    tpu.barrier barrier_id(%barrier3A_71)
    %scan3A_72 = arith.constant 0 : i32
    %scan3A_73 = arith.constant 0 : i32
    %scan3A_74 = arith.constant 632 : i32
    %scan3A_75 = arith.addi %scan3A_73, %scan3A_74 : i32
    %scan3A_76 = arith.constant 1 : i32
    %scan3A_77 = scf.for %scan3A_156 = %scan3A_73 to %scan3A_75 step %scan3A_76 iter_args(%scan3A_157 = %scan3A_72) -> (i32)  : i32 {
      %broadcast_in_dim3A = arith.constant 0.000000e+00 : f32
      %broadcast_in_dim3A_158 = vector.broadcast %broadcast_in_dim3A : f32 to vector<16xf32>
      %swap3A = arith.index_cast %scan3A_156 : i32 to index
      %swap3A_159 = arith.constant 0 : index
      %swap3A_160 = tpu.vector_load %arg14[%swap3A, %swap3A_159] {strides = array<i32>} : memref<632x16xf32, #tpu.memory_space<vmem>>, vector<1x16xf32>,
      %swap3A_161 = vector.shape_cast %swap3A_160 : vector<1x16xf32> to vector<16xf32>
      %swap3A_162 = vector.shape_cast %broadcast_in_dim3A_158 : vector<16xf32> to vector<1x16xf32>
      tpu.vector_store %arg14[%swap3A, %swap3A_159], %swap3A_162 {strides = array<i32>} : memref<632x16xf32, #tpu.memory_space<vmem>>, vector<1x16xf32>,
      %scan3A_163 = arith.constant 0 : i32
      scf.yield %scan3A_163 : i32
    }
    %scan3A_78 = arith.constant 632 : i32
    "tpu.region"() ({
      %run_scoped3A = tpu.sem_alloc : memref<!tpu.dma_semaphore, #tpu.memory_space<semaphore_mem>>
      %dma_start3A = arith.constant 0 : i32
      %dma_start3A_156 = tpu.memref_slice %arg8[%mul3A_2, %dma_start3A] : memref<10112x16xf32, #tpu.memory_space<vmem_shared>> -> memref<632x16xf32, #tpu.memory_space<vmem_shared>>
      %dma_start3A_157 = arith.constant 0 : i32
      %dma_start3A_158 = tpu.memref_slice %arg8[%mul3A_2, %dma_start3A_157] : memref<10112x16xf32, #tpu.memory_space<vmem_shared>> -> memref<632x16xf32, #tpu.memory_space<vmem_shared>>
      tpu.enqueue_dma source(%arg14 : memref<632x16xf32, #tpu.memory_space<vmem>>) target(%dma_start3A_158 : memref<632x16xf32, #tpu.memory_space<vmem_shared>>) target_semaphore(%run_scoped3A : memref<!tpu.dma_semaphore, #tpu.memory_space<semaphore_mem>>)
      %dma_wait3A = arith.constant 0 : i32
      %dma_wait3A_159 = tpu.memref_slice %arg8[%mul3A_2, %dma_wait3A] : memref<10112x16xf32, #tpu.memory_space<vmem_shared>> -> memref<632x16xf32, #tpu.memory_space<vmem_shared>>
      %dma_wait3A_160 = arith.constant 0 : i32
      %dma_wait3A_161 = tpu.memref_slice %arg8[%mul3A_2, %dma_wait3A_160] : memref<10112x16xf32, #tpu.memory_space<vmem_shared>> -> memref<632x16xf32, #tpu.memory_space<vmem_shared>>
      tpu.wait_dma2 semaphore(%run_scoped3A : memref<!tpu.dma_semaphore, #tpu.memory_space<semaphore_mem>>) src(%arg14 : memref<632x16xf32, #tpu.memory_space<vmem>>) dst(%dma_wait3A_161 : memref<632x16xf32, #tpu.memory_space<vmem_shared>>)
      tpu.yield
    }) : () -> ()
    %barrier3A_79 = arith.constant 0 : index
    tpu.barrier barrier_id(%barrier3A_79)
    %scan3A_80 = arith.constant 0 : i32
    %scan3A_81 = arith.constant 0 : i32
    %scan3A_82 = arith.constant 79 : i32
    %scan3A_83 = arith.addi %scan3A_81, %scan3A_82 : i32
    %scan3A_84 = arith.constant 1 : i32
    %scan3A_85 = scf.for %scan3A_156 = %scan3A_81 to %scan3A_83 step %scan3A_84 iter_args(%scan3A_157 = %scan3A_80) -> (i32)  : i32 {
      %dma_start3A = arith.constant 0 : i32
      %dma_start3A_158 = tpu.memref_slice %arg10[%scan3A_156, %dma_start3A] : memref<79x128xi32, #tpu.memory_space<vmem>> -> memref<1x128xi32, #tpu.memory_space<vmem>>
      %dma_start3A_159 = tpu.memref_squeeze %dma_start3A_158 : memref<1x128xi32, #tpu.memory_space<vmem>> -> memref<128xi32, #tpu.memory_space<vmem>>
      %dma_start3A_160 = arith.constant 0 : i32
      %dma_start3A_161 = arith.constant 0 : i32
      %dma_start3A_162 = tpu.memref_slice %arg6[%dma_start3A_160, %dma_start3A_161] : memref<20224x16xf32, #tpu.memory_space<hbm>> -> memref<20224x16xf32, #tpu.memory_space<hbm>>
      tpu.enqueue_indirect_dma source(%dma_start3A_162 : memref<20224x16xf32, #tpu.memory_space<hbm>>) target(%arg12 : memref<128x16xf32, #tpu.memory_space<vmem>>) offsets(%dma_start3A_159 : memref<128xi32, #tpu.memory_space<vmem>>) semaphore(%arg17 : memref<!tpu.dma_semaphore, #tpu.memory_space<semaphore_mem>>)
      %dma_wait3A = arith.constant 0 : i32
      %dma_wait3A_163 = tpu.memref_slice %arg10[%scan3A_156, %dma_wait3A] : memref<79x128xi32, #tpu.memory_space<vmem>> -> memref<1x128xi32, #tpu.memory_space<vmem>>
      %dma_wait3A_164 = tpu.memref_squeeze %dma_wait3A_163 : memref<1x128xi32, #tpu.memory_space<vmem>> -> memref<128xi32, #tpu.memory_space<vmem>>
      %dma_wait3A_165 = arith.constant 0 : i32
      %dma_wait3A_166 = arith.constant 0 : i32
      %dma_wait3A_167 = tpu.memref_slice %arg6[%dma_wait3A_165, %dma_wait3A_166] : memref<20224x16xf32, #tpu.memory_space<hbm>> -> memref<20224x16xf32, #tpu.memory_space<hbm>>
      tpu.wait_indirect_dma semaphore(%arg17 : memref<!tpu.dma_semaphore, #tpu.memory_space<semaphore_mem>>) src(%dma_wait3A_167 : memref<20224x16xf32, #tpu.memory_space<hbm>>) dst(%arg12 : memref<128x16xf32, #tpu.memory_space<vmem>>)
      "tpu.region"() ({
        %run_scoped3A = tpu.sem_alloc : memref<!tpu.dma_semaphore, #tpu.memory_space<semaphore_mem>>
        %dma_start3A_169 = arith.constant 0 : i32
        %dma_start3A_170 = tpu.memref_slice %arg11[%scan3A_156, %dma_start3A_169] : memref<79x128xi32, #tpu.memory_space<vmem>> -> memref<1x128xi32, #tpu.memory_space<vmem>>
        %dma_start3A_171 = tpu.memref_squeeze %dma_start3A_170 : memref<1x128xi32, #tpu.memory_space<vmem>> -> memref<128xi32, #tpu.memory_space<vmem>>
        %dma_start3A_172 = arith.constant 0 : i32
        %dma_start3A_173 = arith.constant 0 : i32
        %dma_start3A_174 = tpu.memref_slice %arg8[%dma_start3A_172, %dma_start3A_173] : memref<10112x16xf32, #tpu.memory_space<vmem_shared>> -> memref<10112x16xf32, #tpu.memory_space<vmem_shared>>
        tpu.enqueue_indirect_dma source(%arg12 : memref<128x16xf32, #tpu.memory_space<vmem>>) target(%dma_start3A_174 : memref<10112x16xf32, #tpu.memory_space<vmem_shared>>) offsets(%dma_start3A_171 : memref<128xi32, #tpu.memory_space<vmem>>) semaphore(%run_scoped3A : memref<!tpu.dma_semaphore, #tpu.memory_space<semaphore_mem>>) {add = true}
        %dma_wait3A_175 = arith.constant 0 : i32
        %dma_wait3A_176 = tpu.memref_slice %arg11[%scan3A_156, %dma_wait3A_175] : memref<79x128xi32, #tpu.memory_space<vmem>> -> memref<1x128xi32, #tpu.memory_space<vmem>>
        %dma_wait3A_177 = tpu.memref_squeeze %dma_wait3A_176 : memref<1x128xi32, #tpu.memory_space<vmem>> -> memref<128xi32, #tpu.memory_space<vmem>>
        %dma_wait3A_178 = arith.constant 0 : i32
        %dma_wait3A_179 = arith.constant 0 : i32
        %dma_wait3A_180 = tpu.memref_slice %arg8[%dma_wait3A_178, %dma_wait3A_179] : memref<10112x16xf32, #tpu.memory_space<vmem_shared>> -> memref<10112x16xf32, #tpu.memory_space<vmem_shared>>
        tpu.wait_indirect_dma semaphore(%run_scoped3A : memref<!tpu.dma_semaphore, #tpu.memory_space<semaphore_mem>>) src(%arg12 : memref<128x16xf32, #tpu.memory_space<vmem>>) dst(%dma_wait3A_180 : memref<10112x16xf32, #tpu.memory_space<vmem_shared>>)
        tpu.yield
      }) : () -> ()
      %scan3A_168 = arith.constant 0 : i32
      scf.yield %scan3A_168 : i32
    }
    %scan3A_86 = arith.constant 79 : i32
    %barrier3A_87 = arith.constant 0 : index
    tpu.barrier barrier_id(%barrier3A_87)
    "tpu.region"() ({
      %run_scoped3A = tpu.sem_alloc : memref<!tpu.dma_semaphore, #tpu.memory_space<semaphore_mem>>
      %dma_start3A = arith.constant 0 : i32
      %dma_start3A_156 = tpu.memref_slice %arg8[%mul3A_2, %dma_start3A] : memref<10112x16xf32, #tpu.memory_space<vmem_shared>> -> memref<632x16xf32, #tpu.memory_space<vmem_shared>>
      %dma_start3A_157 = arith.constant 0 : i32
      %dma_start3A_158 = tpu.memref_slice %arg8[%mul3A_2, %dma_start3A_157] : memref<10112x16xf32, #tpu.memory_space<vmem_shared>> -> memref<632x16xf32, #tpu.memory_space<vmem_shared>>
      tpu.enqueue_dma source(%dma_start3A_158 : memref<632x16xf32, #tpu.memory_space<vmem_shared>>) target(%arg14 : memref<632x16xf32, #tpu.memory_space<vmem>>) target_semaphore(%run_scoped3A : memref<!tpu.dma_semaphore, #tpu.memory_space<semaphore_mem>>)
      %dma_wait3A = arith.constant 0 : i32
      %dma_wait3A_159 = tpu.memref_slice %arg8[%mul3A_2, %dma_wait3A] : memref<10112x16xf32, #tpu.memory_space<vmem_shared>> -> memref<632x16xf32, #tpu.memory_space<vmem_shared>>
      %dma_wait3A_160 = arith.constant 0 : i32
      %dma_wait3A_161 = tpu.memref_slice %arg8[%mul3A_2, %dma_wait3A_160] : memref<10112x16xf32, #tpu.memory_space<vmem_shared>> -> memref<632x16xf32, #tpu.memory_space<vmem_shared>>
      tpu.wait_dma2 semaphore(%run_scoped3A : memref<!tpu.dma_semaphore, #tpu.memory_space<semaphore_mem>>) src(%dma_wait3A_161 : memref<632x16xf32, #tpu.memory_space<vmem_shared>>) dst(%arg14 : memref<632x16xf32, #tpu.memory_space<vmem>>)
      tpu.yield
    }) : () -> ()
    %scan3A_88 = arith.constant 0 : i32
    %scan3A_89 = arith.constant 0 : i32
    %scan3A_90 = arith.constant 632 : i32
    %scan3A_91 = arith.addi %scan3A_89, %scan3A_90 : i32
    %scan3A_92 = arith.constant 1 : i32
    %scan3A_93 = scf.for %scan3A_156 = %scan3A_89 to %scan3A_91 step %scan3A_92 iter_args(%scan3A_157 = %scan3A_88) -> (i32)  : i32 {
      %get3A = arith.index_cast %scan3A_156 : i32 to index
      %get3A_158 = arith.constant 0 : index
      %get3A_159 = tpu.vector_load %arg13[%get3A, %get3A_158] {strides = array<i32>} : memref<632x16xf32, #tpu.memory_space<vmem>>, vector<1x16xf32>,
      %get3A_160 = vector.shape_cast %get3A_159 : vector<1x16xf32> to vector<16xf32>
      %get3A_161 = arith.index_cast %scan3A_156 : i32 to index
      %get3A_162 = arith.constant 0 : index
      %get3A_163 = tpu.vector_load %arg14[%get3A_161, %get3A_162] {strides = array<i32>} : memref<632x16xf32, #tpu.memory_space<vmem>>, vector<1x16xf32>,
      %get3A_164 = vector.shape_cast %get3A_163 : vector<1x16xf32> to vector<16xf32>
      %mul3A_165 = arith.mulf %get3A_160, %get3A_164 : vector<16xf32>
      %neg3A = arith.constant 0.000000e+00 : f32
      %neg3A_166 = vector.broadcast %neg3A : f32 to vector<16xf32>
      %neg3A_167 = arith.subf %neg3A_166, %mul3A_165 : vector<16xf32>
      %mul3A_168 = arith.constant 2.000000e+00 : f32
      %mul3A_169 = vector.broadcast %mul3A_168 : f32 to vector<16xf32>
      %mul3A_170 = arith.mulf %mul3A_169, %neg3A_167 : vector<16xf32>
      %get3A_171 = arith.index_cast %scan3A_156 : i32 to index
      %get3A_172 = arith.constant 0 : index
      %get3A_173 = tpu.vector_load %arg16[%get3A_171, %get3A_172] {strides = array<i32>} : memref<632x16xf32, #tpu.memory_space<vmem>>, vector<1x16xf32>,
      %get3A_174 = vector.shape_cast %get3A_173 : vector<1x16xf32> to vector<16xf32>
      %sub3A = arith.subf %mul3A_170, %get3A_174 : vector<16xf32>
      %swap3A = arith.index_cast %scan3A_156 : i32 to index
      %swap3A_175 = arith.constant 0 : index
      %swap3A_176 = tpu.vector_load %arg16[%swap3A, %swap3A_175] {strides = array<i32>} : memref<632x16xf32, #tpu.memory_space<vmem>>, vector<1x16xf32>,
      %swap3A_177 = vector.shape_cast %swap3A_176 : vector<1x16xf32> to vector<16xf32>
      %swap3A_178 = vector.shape_cast %sub3A : vector<16xf32> to vector<1x16xf32>
      tpu.vector_store %arg16[%swap3A, %swap3A_175], %swap3A_178 {strides = array<i32>} : memref<632x16xf32, #tpu.memory_space<vmem>>, vector<1x16xf32>,
      %get3A_179 = arith.index_cast %scan3A_156 : i32 to index
      %get3A_180 = arith.constant 0 : index
      %get3A_181 = tpu.vector_load %arg13[%get3A_179, %get3A_180] {strides = array<i32>} : memref<632x16xf32, #tpu.memory_space<vmem>>, vector<1x16xf32>,
      %get3A_182 = vector.shape_cast %get3A_181 : vector<1x16xf32> to vector<16xf32>
      %mul3A_183 = arith.mulf %get3A_182, %sub3A : vector<16xf32>
      %swap3A_184 = arith.index_cast %scan3A_156 : i32 to index
      %swap3A_185 = arith.constant 0 : index
      %swap3A_186 = tpu.vector_load %arg14[%swap3A_184, %swap3A_185] {strides = array<i32>} : memref<632x16xf32, #tpu.memory_space<vmem>>, vector<1x16xf32>,
      %swap3A_187 = vector.shape_cast %swap3A_186 : vector<1x16xf32> to vector<16xf32>
      %swap3A_188 = vector.shape_cast %mul3A_183 : vector<16xf32> to vector<1x16xf32>
      tpu.vector_store %arg14[%swap3A_184, %swap3A_185], %swap3A_188 {strides = array<i32>} : memref<632x16xf32, #tpu.memory_space<vmem>>, vector<1x16xf32>,
      %scan3A_189 = arith.constant 0 : i32
      scf.yield %scan3A_189 : i32
    }
    %scan3A_94 = arith.constant 632 : i32
    %mul3A_95 = arith.constant 4 : i32
    %mul3A_96 = arith.muli %arg0, %mul3A_95 : i32
    %add3A_97 = arith.constant 1 : i32
    %add3A_98 = arith.addi %mul3A_96, %add3A_97 : i32
    "tpu.region"() ({
      %run_scoped3A = tpu.sem_alloc : memref<!tpu.dma_semaphore, #tpu.memory_space<semaphore_mem>>
      %dma_start3A = arith.constant 0 : i32
      %dma_start3A_156 = tpu.memref_slice %arg5[%add3A_98, %mul3A_2, %dma_start3A] : memref<8x10112x16xf32, #tpu.memory_space<hbm>> -> memref<1x632x16xf32, #tpu.memory_space<hbm>>
      %dma_start3A_157 = tpu.memref_squeeze %dma_start3A_156 : memref<1x632x16xf32, #tpu.memory_space<hbm>> -> memref<632x16xf32, #tpu.memory_space<hbm>>
      %dma_start3A_158 = arith.constant 0 : i32
      %dma_start3A_159 = tpu.memref_slice %arg5[%add3A_98, %mul3A_2, %dma_start3A_158] : memref<8x10112x16xf32, #tpu.memory_space<hbm>> -> memref<1x632x16xf32, #tpu.memory_space<hbm>>
      %dma_start3A_160 = tpu.memref_squeeze %dma_start3A_159 : memref<1x632x16xf32, #tpu.memory_space<hbm>> -> memref<632x16xf32, #tpu.memory_space<hbm>>
      tpu.enqueue_dma source(%arg16 : memref<632x16xf32, #tpu.memory_space<vmem>>) target(%dma_start3A_160 : memref<632x16xf32, #tpu.memory_space<hbm>>) target_semaphore(%run_scoped3A : memref<!tpu.dma_semaphore, #tpu.memory_space<semaphore_mem>>)
      %dma_wait3A = arith.constant 0 : i32
      %dma_wait3A_161 = tpu.memref_slice %arg5[%add3A_98, %mul3A_2, %dma_wait3A] : memref<8x10112x16xf32, #tpu.memory_space<hbm>> -> memref<1x632x16xf32, #tpu.memory_space<hbm>>
      %dma_wait3A_162 = tpu.memref_squeeze %dma_wait3A_161 : memref<1x632x16xf32, #tpu.memory_space<hbm>> -> memref<632x16xf32, #tpu.memory_space<hbm>>
      %dma_wait3A_163 = arith.constant 0 : i32
      %dma_wait3A_164 = tpu.memref_slice %arg5[%add3A_98, %mul3A_2, %dma_wait3A_163] : memref<8x10112x16xf32, #tpu.memory_space<hbm>> -> memref<1x632x16xf32, #tpu.memory_space<hbm>>
      %dma_wait3A_165 = tpu.memref_squeeze %dma_wait3A_164 : memref<1x632x16xf32, #tpu.memory_space<hbm>> -> memref<632x16xf32, #tpu.memory_space<hbm>>
      tpu.wait_dma2 semaphore(%run_scoped3A : memref<!tpu.dma_semaphore, #tpu.memory_space<semaphore_mem>>) src(%arg16 : memref<632x16xf32, #tpu.memory_space<vmem>>) dst(%dma_wait3A_165 : memref<632x16xf32, #tpu.memory_space<hbm>>)
      tpu.yield
    }) : () -> ()
    "tpu.region"() ({
      %run_scoped3A = tpu.sem_alloc : memref<!tpu.dma_semaphore, #tpu.memory_space<semaphore_mem>>
      %dma_start3A = arith.constant 0 : i32
      %dma_start3A_156 = tpu.memref_slice %arg6[%add3A_5, %dma_start3A] : memref<20224x16xf32, #tpu.memory_space<hbm>> -> memref<632x16xf32, #tpu.memory_space<hbm>>
      %dma_start3A_157 = arith.constant 0 : i32
      %dma_start3A_158 = tpu.memref_slice %arg6[%add3A_5, %dma_start3A_157] : memref<20224x16xf32, #tpu.memory_space<hbm>> -> memref<632x16xf32, #tpu.memory_space<hbm>>
      tpu.enqueue_dma source(%arg14 : memref<632x16xf32, #tpu.memory_space<vmem>>) target(%dma_start3A_158 : memref<632x16xf32, #tpu.memory_space<hbm>>) target_semaphore(%run_scoped3A : memref<!tpu.dma_semaphore, #tpu.memory_space<semaphore_mem>>)
      %dma_wait3A = arith.constant 0 : i32
      %dma_wait3A_159 = tpu.memref_slice %arg6[%add3A_5, %dma_wait3A] : memref<20224x16xf32, #tpu.memory_space<hbm>> -> memref<632x16xf32, #tpu.memory_space<hbm>>
      %dma_wait3A_160 = arith.constant 0 : i32
      %dma_wait3A_161 = tpu.memref_slice %arg6[%add3A_5, %dma_wait3A_160] : memref<20224x16xf32, #tpu.memory_space<hbm>> -> memref<632x16xf32, #tpu.memory_space<hbm>>
      tpu.wait_dma2 semaphore(%run_scoped3A : memref<!tpu.dma_semaphore, #tpu.memory_space<semaphore_mem>>) src(%arg14 : memref<632x16xf32, #tpu.memory_space<vmem>>) dst(%dma_wait3A_161 : memref<632x16xf32, #tpu.memory_space<hbm>>)
      tpu.yield
    }) : () -> ()
    %barrier3A_99 = arith.constant 0 : index
    tpu.barrier barrier_id(%barrier3A_99)
    %scan3A_100 = arith.constant 0 : i32
    %scan3A_101 = arith.constant 0 : i32
    %scan3A_102 = arith.constant 632 : i32
    %scan3A_103 = arith.addi %scan3A_101, %scan3A_102 : i32
    %scan3A_104 = arith.constant 1 : i32
    %scan3A_105 = scf.for %scan3A_156 = %scan3A_101 to %scan3A_103 step %scan3A_104 iter_args(%scan3A_157 = %scan3A_100) -> (i32)  : i32 {
      %broadcast_in_dim3A = arith.constant 0.000000e+00 : f32
      %broadcast_in_dim3A_158 = vector.broadcast %broadcast_in_dim3A : f32 to vector<16xf32>
      %swap3A = arith.index_cast %scan3A_156 : i32 to index
      %swap3A_159 = arith.constant 0 : index
      %swap3A_160 = tpu.vector_load %arg14[%swap3A, %swap3A_159] {strides = array<i32>} : memref<632x16xf32, #tpu.memory_space<vmem>>, vector<1x16xf32>,
      %swap3A_161 = vector.shape_cast %swap3A_160 : vector<1x16xf32> to vector<16xf32>
      %swap3A_162 = vector.shape_cast %broadcast_in_dim3A_158 : vector<16xf32> to vector<1x16xf32>
      tpu.vector_store %arg14[%swap3A, %swap3A_159], %swap3A_162 {strides = array<i32>} : memref<632x16xf32, #tpu.memory_space<vmem>>, vector<1x16xf32>,
      %scan3A_163 = arith.constant 0 : i32
      scf.yield %scan3A_163 : i32
    }
    %scan3A_106 = arith.constant 632 : i32
    "tpu.region"() ({
      %run_scoped3A = tpu.sem_alloc : memref<!tpu.dma_semaphore, #tpu.memory_space<semaphore_mem>>
      %dma_start3A = arith.constant 0 : i32
      %dma_start3A_156 = tpu.memref_slice %arg8[%mul3A_2, %dma_start3A] : memref<10112x16xf32, #tpu.memory_space<vmem_shared>> -> memref<632x16xf32, #tpu.memory_space<vmem_shared>>
      %dma_start3A_157 = arith.constant 0 : i32
      %dma_start3A_158 = tpu.memref_slice %arg8[%mul3A_2, %dma_start3A_157] : memref<10112x16xf32, #tpu.memory_space<vmem_shared>> -> memref<632x16xf32, #tpu.memory_space<vmem_shared>>
      tpu.enqueue_dma source(%arg14 : memref<632x16xf32, #tpu.memory_space<vmem>>) target(%dma_start3A_158 : memref<632x16xf32, #tpu.memory_space<vmem_shared>>) target_semaphore(%run_scoped3A : memref<!tpu.dma_semaphore, #tpu.memory_space<semaphore_mem>>)
      %dma_wait3A = arith.constant 0 : i32
      %dma_wait3A_159 = tpu.memref_slice %arg8[%mul3A_2, %dma_wait3A] : memref<10112x16xf32, #tpu.memory_space<vmem_shared>> -> memref<632x16xf32, #tpu.memory_space<vmem_shared>>
      %dma_wait3A_160 = arith.constant 0 : i32
      %dma_wait3A_161 = tpu.memref_slice %arg8[%mul3A_2, %dma_wait3A_160] : memref<10112x16xf32, #tpu.memory_space<vmem_shared>> -> memref<632x16xf32, #tpu.memory_space<vmem_shared>>
      tpu.wait_dma2 semaphore(%run_scoped3A : memref<!tpu.dma_semaphore, #tpu.memory_space<semaphore_mem>>) src(%arg14 : memref<632x16xf32, #tpu.memory_space<vmem>>) dst(%dma_wait3A_161 : memref<632x16xf32, #tpu.memory_space<vmem_shared>>)
      tpu.yield
    }) : () -> ()
    %barrier3A_107 = arith.constant 0 : index
    tpu.barrier barrier_id(%barrier3A_107)
    %scan3A_108 = arith.constant 0 : i32
    %scan3A_109 = arith.constant 0 : i32
    %scan3A_110 = arith.constant 79 : i32
    %scan3A_111 = arith.addi %scan3A_109, %scan3A_110 : i32
    %scan3A_112 = arith.constant 1 : i32
    %scan3A_113 = scf.for %scan3A_156 = %scan3A_109 to %scan3A_111 step %scan3A_112 iter_args(%scan3A_157 = %scan3A_108) -> (i32)  : i32 {
      %dma_start3A = arith.constant 0 : i32
      %dma_start3A_158 = tpu.memref_slice %arg10[%scan3A_156, %dma_start3A] : memref<79x128xi32, #tpu.memory_space<vmem>> -> memref<1x128xi32, #tpu.memory_space<vmem>>
      %dma_start3A_159 = tpu.memref_squeeze %dma_start3A_158 : memref<1x128xi32, #tpu.memory_space<vmem>> -> memref<128xi32, #tpu.memory_space<vmem>>
      %dma_start3A_160 = arith.constant 0 : i32
      %dma_start3A_161 = arith.constant 0 : i32
      %dma_start3A_162 = tpu.memref_slice %arg6[%dma_start3A_160, %dma_start3A_161] : memref<20224x16xf32, #tpu.memory_space<hbm>> -> memref<20224x16xf32, #tpu.memory_space<hbm>>
      tpu.enqueue_indirect_dma source(%dma_start3A_162 : memref<20224x16xf32, #tpu.memory_space<hbm>>) target(%arg12 : memref<128x16xf32, #tpu.memory_space<vmem>>) offsets(%dma_start3A_159 : memref<128xi32, #tpu.memory_space<vmem>>) semaphore(%arg17 : memref<!tpu.dma_semaphore, #tpu.memory_space<semaphore_mem>>)
      %dma_wait3A = arith.constant 0 : i32
      %dma_wait3A_163 = tpu.memref_slice %arg10[%scan3A_156, %dma_wait3A] : memref<79x128xi32, #tpu.memory_space<vmem>> -> memref<1x128xi32, #tpu.memory_space<vmem>>
      %dma_wait3A_164 = tpu.memref_squeeze %dma_wait3A_163 : memref<1x128xi32, #tpu.memory_space<vmem>> -> memref<128xi32, #tpu.memory_space<vmem>>
      %dma_wait3A_165 = arith.constant 0 : i32
      %dma_wait3A_166 = arith.constant 0 : i32
      %dma_wait3A_167 = tpu.memref_slice %arg6[%dma_wait3A_165, %dma_wait3A_166] : memref<20224x16xf32, #tpu.memory_space<hbm>> -> memref<20224x16xf32, #tpu.memory_space<hbm>>
      tpu.wait_indirect_dma semaphore(%arg17 : memref<!tpu.dma_semaphore, #tpu.memory_space<semaphore_mem>>) src(%dma_wait3A_167 : memref<20224x16xf32, #tpu.memory_space<hbm>>) dst(%arg12 : memref<128x16xf32, #tpu.memory_space<vmem>>)
      "tpu.region"() ({
        %run_scoped3A = tpu.sem_alloc : memref<!tpu.dma_semaphore, #tpu.memory_space<semaphore_mem>>
        %dma_start3A_169 = arith.constant 0 : i32
        %dma_start3A_170 = tpu.memref_slice %arg11[%scan3A_156, %dma_start3A_169] : memref<79x128xi32, #tpu.memory_space<vmem>> -> memref<1x128xi32, #tpu.memory_space<vmem>>
        %dma_start3A_171 = tpu.memref_squeeze %dma_start3A_170 : memref<1x128xi32, #tpu.memory_space<vmem>> -> memref<128xi32, #tpu.memory_space<vmem>>
        %dma_start3A_172 = arith.constant 0 : i32
        %dma_start3A_173 = arith.constant 0 : i32
        %dma_start3A_174 = tpu.memref_slice %arg8[%dma_start3A_172, %dma_start3A_173] : memref<10112x16xf32, #tpu.memory_space<vmem_shared>> -> memref<10112x16xf32, #tpu.memory_space<vmem_shared>>
        tpu.enqueue_indirect_dma source(%arg12 : memref<128x16xf32, #tpu.memory_space<vmem>>) target(%dma_start3A_174 : memref<10112x16xf32, #tpu.memory_space<vmem_shared>>) offsets(%dma_start3A_171 : memref<128xi32, #tpu.memory_space<vmem>>) semaphore(%run_scoped3A : memref<!tpu.dma_semaphore, #tpu.memory_space<semaphore_mem>>) {add = true}
        %dma_wait3A_175 = arith.constant 0 : i32
        %dma_wait3A_176 = tpu.memref_slice %arg11[%scan3A_156, %dma_wait3A_175] : memref<79x128xi32, #tpu.memory_space<vmem>> -> memref<1x128xi32, #tpu.memory_space<vmem>>
        %dma_wait3A_177 = tpu.memref_squeeze %dma_wait3A_176 : memref<1x128xi32, #tpu.memory_space<vmem>> -> memref<128xi32, #tpu.memory_space<vmem>>
        %dma_wait3A_178 = arith.constant 0 : i32
        %dma_wait3A_179 = arith.constant 0 : i32
        %dma_wait3A_180 = tpu.memref_slice %arg8[%dma_wait3A_178, %dma_wait3A_179] : memref<10112x16xf32, #tpu.memory_space<vmem_shared>> -> memref<10112x16xf32, #tpu.memory_space<vmem_shared>>
        tpu.wait_indirect_dma semaphore(%run_scoped3A : memref<!tpu.dma_semaphore, #tpu.memory_space<semaphore_mem>>) src(%arg12 : memref<128x16xf32, #tpu.memory_space<vmem>>) dst(%dma_wait3A_180 : memref<10112x16xf32, #tpu.memory_space<vmem_shared>>)
        tpu.yield
      }) : () -> ()
      %scan3A_168 = arith.constant 0 : i32
      scf.yield %scan3A_168 : i32
    }
    %scan3A_114 = arith.constant 79 : i32
    %barrier3A_115 = arith.constant 0 : index
    tpu.barrier barrier_id(%barrier3A_115)
    "tpu.region"() ({
      %run_scoped3A = tpu.sem_alloc : memref<!tpu.dma_semaphore, #tpu.memory_space<semaphore_mem>>
      %dma_start3A = arith.constant 0 : i32
      %dma_start3A_156 = tpu.memref_slice %arg8[%mul3A_2, %dma_start3A] : memref<10112x16xf32, #tpu.memory_space<vmem_shared>> -> memref<632x16xf32, #tpu.memory_space<vmem_shared>>
      %dma_start3A_157 = arith.constant 0 : i32
      %dma_start3A_158 = tpu.memref_slice %arg8[%mul3A_2, %dma_start3A_157] : memref<10112x16xf32, #tpu.memory_space<vmem_shared>> -> memref<632x16xf32, #tpu.memory_space<vmem_shared>>
      tpu.enqueue_dma source(%dma_start3A_158 : memref<632x16xf32, #tpu.memory_space<vmem_shared>>) target(%arg14 : memref<632x16xf32, #tpu.memory_space<vmem>>) target_semaphore(%run_scoped3A : memref<!tpu.dma_semaphore, #tpu.memory_space<semaphore_mem>>)
      %dma_wait3A = arith.constant 0 : i32
      %dma_wait3A_159 = tpu.memref_slice %arg8[%mul3A_2, %dma_wait3A] : memref<10112x16xf32, #tpu.memory_space<vmem_shared>> -> memref<632x16xf32, #tpu.memory_space<vmem_shared>>
      %dma_wait3A_160 = arith.constant 0 : i32
      %dma_wait3A_161 = tpu.memref_slice %arg8[%mul3A_2, %dma_wait3A_160] : memref<10112x16xf32, #tpu.memory_space<vmem_shared>> -> memref<632x16xf32, #tpu.memory_space<vmem_shared>>
      tpu.wait_dma2 semaphore(%run_scoped3A : memref<!tpu.dma_semaphore, #tpu.memory_space<semaphore_mem>>) src(%dma_wait3A_161 : memref<632x16xf32, #tpu.memory_space<vmem_shared>>) dst(%arg14 : memref<632x16xf32, #tpu.memory_space<vmem>>)
      tpu.yield
    }) : () -> ()
    %scan3A_116 = arith.constant 0 : i32
    %scan3A_117 = arith.constant 0 : i32
    %scan3A_118 = arith.constant 632 : i32
    %scan3A_119 = arith.addi %scan3A_117, %scan3A_118 : i32
    %scan3A_120 = arith.constant 1 : i32
    %scan3A_121 = scf.for %scan3A_156 = %scan3A_117 to %scan3A_119 step %scan3A_120 iter_args(%scan3A_157 = %scan3A_116) -> (i32)  : i32 {
      %get3A = arith.index_cast %scan3A_156 : i32 to index
      %get3A_158 = arith.constant 0 : index
      %get3A_159 = tpu.vector_load %arg13[%get3A, %get3A_158] {strides = array<i32>} : memref<632x16xf32, #tpu.memory_space<vmem>>, vector<1x16xf32>,
      %get3A_160 = vector.shape_cast %get3A_159 : vector<1x16xf32> to vector<16xf32>
      %get3A_161 = arith.index_cast %scan3A_156 : i32 to index
      %get3A_162 = arith.constant 0 : index
      %get3A_163 = tpu.vector_load %arg14[%get3A_161, %get3A_162] {strides = array<i32>} : memref<632x16xf32, #tpu.memory_space<vmem>>, vector<1x16xf32>,
      %get3A_164 = vector.shape_cast %get3A_163 : vector<1x16xf32> to vector<16xf32>
      %mul3A_165 = arith.mulf %get3A_160, %get3A_164 : vector<16xf32>
      %neg3A = arith.constant 0.000000e+00 : f32
      %neg3A_166 = vector.broadcast %neg3A : f32 to vector<16xf32>
      %neg3A_167 = arith.subf %neg3A_166, %mul3A_165 : vector<16xf32>
      %mul3A_168 = arith.constant 2.000000e+00 : f32
      %mul3A_169 = vector.broadcast %mul3A_168 : f32 to vector<16xf32>
      %mul3A_170 = arith.mulf %mul3A_169, %neg3A_167 : vector<16xf32>
      %get3A_171 = arith.index_cast %scan3A_156 : i32 to index
      %get3A_172 = arith.constant 0 : index
      %get3A_173 = tpu.vector_load %arg15[%get3A_171, %get3A_172] {strides = array<i32>} : memref<632x16xf32, #tpu.memory_space<vmem>>, vector<1x16xf32>,
      %get3A_174 = vector.shape_cast %get3A_173 : vector<1x16xf32> to vector<16xf32>
      %sub3A = arith.subf %mul3A_170, %get3A_174 : vector<16xf32>
      %swap3A = arith.index_cast %scan3A_156 : i32 to index
      %swap3A_175 = arith.constant 0 : index
      %swap3A_176 = tpu.vector_load %arg15[%swap3A, %swap3A_175] {strides = array<i32>} : memref<632x16xf32, #tpu.memory_space<vmem>>, vector<1x16xf32>,
      %swap3A_177 = vector.shape_cast %swap3A_176 : vector<1x16xf32> to vector<16xf32>
      %swap3A_178 = vector.shape_cast %sub3A : vector<16xf32> to vector<1x16xf32>
      tpu.vector_store %arg15[%swap3A, %swap3A_175], %swap3A_178 {strides = array<i32>} : memref<632x16xf32, #tpu.memory_space<vmem>>, vector<1x16xf32>,
      %get3A_179 = arith.index_cast %scan3A_156 : i32 to index
      %get3A_180 = arith.constant 0 : index
      %get3A_181 = tpu.vector_load %arg13[%get3A_179, %get3A_180] {strides = array<i32>} : memref<632x16xf32, #tpu.memory_space<vmem>>, vector<1x16xf32>,
      %get3A_182 = vector.shape_cast %get3A_181 : vector<1x16xf32> to vector<16xf32>
      %mul3A_183 = arith.mulf %get3A_182, %sub3A : vector<16xf32>
      %swap3A_184 = arith.index_cast %scan3A_156 : i32 to index
      %swap3A_185 = arith.constant 0 : index
      %swap3A_186 = tpu.vector_load %arg14[%swap3A_184, %swap3A_185] {strides = array<i32>} : memref<632x16xf32, #tpu.memory_space<vmem>>, vector<1x16xf32>,
      %swap3A_187 = vector.shape_cast %swap3A_186 : vector<1x16xf32> to vector<16xf32>
      %swap3A_188 = vector.shape_cast %mul3A_183 : vector<16xf32> to vector<1x16xf32>
      tpu.vector_store %arg14[%swap3A_184, %swap3A_185], %swap3A_188 {strides = array<i32>} : memref<632x16xf32, #tpu.memory_space<vmem>>, vector<1x16xf32>,
      %scan3A_189 = arith.constant 0 : i32
      scf.yield %scan3A_189 : i32
    }
    %scan3A_122 = arith.constant 632 : i32
    %mul3A_123 = arith.constant 4 : i32
    %mul3A_124 = arith.muli %arg0, %mul3A_123 : i32
    %add3A_125 = arith.constant 2 : i32
    %add3A_126 = arith.addi %mul3A_124, %add3A_125 : i32
    "tpu.region"() ({
      %run_scoped3A = tpu.sem_alloc : memref<!tpu.dma_semaphore, #tpu.memory_space<semaphore_mem>>
      %dma_start3A = arith.constant 0 : i32
      %dma_start3A_156 = tpu.memref_slice %arg5[%add3A_126, %mul3A_2, %dma_start3A] : memref<8x10112x16xf32, #tpu.memory_space<hbm>> -> memref<1x632x16xf32, #tpu.memory_space<hbm>>
      %dma_start3A_157 = tpu.memref_squeeze %dma_start3A_156 : memref<1x632x16xf32, #tpu.memory_space<hbm>> -> memref<632x16xf32, #tpu.memory_space<hbm>>
      %dma_start3A_158 = arith.constant 0 : i32
      %dma_start3A_159 = tpu.memref_slice %arg5[%add3A_126, %mul3A_2, %dma_start3A_158] : memref<8x10112x16xf32, #tpu.memory_space<hbm>> -> memref<1x632x16xf32, #tpu.memory_space<hbm>>
      %dma_start3A_160 = tpu.memref_squeeze %dma_start3A_159 : memref<1x632x16xf32, #tpu.memory_space<hbm>> -> memref<632x16xf32, #tpu.memory_space<hbm>>
      tpu.enqueue_dma source(%arg15 : memref<632x16xf32, #tpu.memory_space<vmem>>) target(%dma_start3A_160 : memref<632x16xf32, #tpu.memory_space<hbm>>) target_semaphore(%run_scoped3A : memref<!tpu.dma_semaphore, #tpu.memory_space<semaphore_mem>>)
      %dma_wait3A = arith.constant 0 : i32
      %dma_wait3A_161 = tpu.memref_slice %arg5[%add3A_126, %mul3A_2, %dma_wait3A] : memref<8x10112x16xf32, #tpu.memory_space<hbm>> -> memref<1x632x16xf32, #tpu.memory_space<hbm>>
      %dma_wait3A_162 = tpu.memref_squeeze %dma_wait3A_161 : memref<1x632x16xf32, #tpu.memory_space<hbm>> -> memref<632x16xf32, #tpu.memory_space<hbm>>
      %dma_wait3A_163 = arith.constant 0 : i32
      %dma_wait3A_164 = tpu.memref_slice %arg5[%add3A_126, %mul3A_2, %dma_wait3A_163] : memref<8x10112x16xf32, #tpu.memory_space<hbm>> -> memref<1x632x16xf32, #tpu.memory_space<hbm>>
      %dma_wait3A_165 = tpu.memref_squeeze %dma_wait3A_164 : memref<1x632x16xf32, #tpu.memory_space<hbm>> -> memref<632x16xf32, #tpu.memory_space<hbm>>
      tpu.wait_dma2 semaphore(%run_scoped3A : memref<!tpu.dma_semaphore, #tpu.memory_space<semaphore_mem>>) src(%arg15 : memref<632x16xf32, #tpu.memory_space<vmem>>) dst(%dma_wait3A_165 : memref<632x16xf32, #tpu.memory_space<hbm>>)
      tpu.yield
    }) : () -> ()
    "tpu.region"() ({
      %run_scoped3A = tpu.sem_alloc : memref<!tpu.dma_semaphore, #tpu.memory_space<semaphore_mem>>
      %dma_start3A = arith.constant 0 : i32
      %dma_start3A_156 = tpu.memref_slice %arg6[%add3A_5, %dma_start3A] : memref<20224x16xf32, #tpu.memory_space<hbm>> -> memref<632x16xf32, #tpu.memory_space<hbm>>
      %dma_start3A_157 = arith.constant 0 : i32
      %dma_start3A_158 = tpu.memref_slice %arg6[%add3A_5, %dma_start3A_157] : memref<20224x16xf32, #tpu.memory_space<hbm>> -> memref<632x16xf32, #tpu.memory_space<hbm>>
      tpu.enqueue_dma source(%arg14 : memref<632x16xf32, #tpu.memory_space<vmem>>) target(%dma_start3A_158 : memref<632x16xf32, #tpu.memory_space<hbm>>) target_semaphore(%run_scoped3A : memref<!tpu.dma_semaphore, #tpu.memory_space<semaphore_mem>>)
      %dma_wait3A = arith.constant 0 : i32
      %dma_wait3A_159 = tpu.memref_slice %arg6[%add3A_5, %dma_wait3A] : memref<20224x16xf32, #tpu.memory_space<hbm>> -> memref<632x16xf32, #tpu.memory_space<hbm>>
      %dma_wait3A_160 = arith.constant 0 : i32
      %dma_wait3A_161 = tpu.memref_slice %arg6[%add3A_5, %dma_wait3A_160] : memref<20224x16xf32, #tpu.memory_space<hbm>> -> memref<632x16xf32, #tpu.memory_space<hbm>>
      tpu.wait_dma2 semaphore(%run_scoped3A : memref<!tpu.dma_semaphore, #tpu.memory_space<semaphore_mem>>) src(%arg14 : memref<632x16xf32, #tpu.memory_space<vmem>>) dst(%dma_wait3A_161 : memref<632x16xf32, #tpu.memory_space<hbm>>)
      tpu.yield
    }) : () -> ()
    %barrier3A_127 = arith.constant 0 : index
    tpu.barrier barrier_id(%barrier3A_127)
    %scan3A_128 = arith.constant 0 : i32
    %scan3A_129 = arith.constant 0 : i32
    %scan3A_130 = arith.constant 632 : i32
    %scan3A_131 = arith.addi %scan3A_129, %scan3A_130 : i32
    %scan3A_132 = arith.constant 1 : i32
    %scan3A_133 = scf.for %scan3A_156 = %scan3A_129 to %scan3A_131 step %scan3A_132 iter_args(%scan3A_157 = %scan3A_128) -> (i32)  : i32 {
      %broadcast_in_dim3A = arith.constant 0.000000e+00 : f32
      %broadcast_in_dim3A_158 = vector.broadcast %broadcast_in_dim3A : f32 to vector<16xf32>
      %swap3A = arith.index_cast %scan3A_156 : i32 to index
      %swap3A_159 = arith.constant 0 : index
      %swap3A_160 = tpu.vector_load %arg14[%swap3A, %swap3A_159] {strides = array<i32>} : memref<632x16xf32, #tpu.memory_space<vmem>>, vector<1x16xf32>,
      %swap3A_161 = vector.shape_cast %swap3A_160 : vector<1x16xf32> to vector<16xf32>
      %swap3A_162 = vector.shape_cast %broadcast_in_dim3A_158 : vector<16xf32> to vector<1x16xf32>
      tpu.vector_store %arg14[%swap3A, %swap3A_159], %swap3A_162 {strides = array<i32>} : memref<632x16xf32, #tpu.memory_space<vmem>>, vector<1x16xf32>,
      %scan3A_163 = arith.constant 0 : i32
      scf.yield %scan3A_163 : i32
    }
    %scan3A_134 = arith.constant 632 : i32
    "tpu.region"() ({
      %run_scoped3A = tpu.sem_alloc : memref<!tpu.dma_semaphore, #tpu.memory_space<semaphore_mem>>
      %dma_start3A = arith.constant 0 : i32
      %dma_start3A_156 = tpu.memref_slice %arg8[%mul3A_2, %dma_start3A] : memref<10112x16xf32, #tpu.memory_space<vmem_shared>> -> memref<632x16xf32, #tpu.memory_space<vmem_shared>>
      %dma_start3A_157 = arith.constant 0 : i32
      %dma_start3A_158 = tpu.memref_slice %arg8[%mul3A_2, %dma_start3A_157] : memref<10112x16xf32, #tpu.memory_space<vmem_shared>> -> memref<632x16xf32, #tpu.memory_space<vmem_shared>>
      tpu.enqueue_dma source(%arg14 : memref<632x16xf32, #tpu.memory_space<vmem>>) target(%dma_start3A_158 : memref<632x16xf32, #tpu.memory_space<vmem_shared>>) target_semaphore(%run_scoped3A : memref<!tpu.dma_semaphore, #tpu.memory_space<semaphore_mem>>)
      %dma_wait3A = arith.constant 0 : i32
      %dma_wait3A_159 = tpu.memref_slice %arg8[%mul3A_2, %dma_wait3A] : memref<10112x16xf32, #tpu.memory_space<vmem_shared>> -> memref<632x16xf32, #tpu.memory_space<vmem_shared>>
      %dma_wait3A_160 = arith.constant 0 : i32
      %dma_wait3A_161 = tpu.memref_slice %arg8[%mul3A_2, %dma_wait3A_160] : memref<10112x16xf32, #tpu.memory_space<vmem_shared>> -> memref<632x16xf32, #tpu.memory_space<vmem_shared>>
      tpu.wait_dma2 semaphore(%run_scoped3A : memref<!tpu.dma_semaphore, #tpu.memory_space<semaphore_mem>>) src(%arg14 : memref<632x16xf32, #tpu.memory_space<vmem>>) dst(%dma_wait3A_161 : memref<632x16xf32, #tpu.memory_space<vmem_shared>>)
      tpu.yield
    }) : () -> ()
    %barrier3A_135 = arith.constant 0 : index
    tpu.barrier barrier_id(%barrier3A_135)
    %scan3A_136 = arith.constant 0 : i32
    %scan3A_137 = arith.constant 0 : i32
    %scan3A_138 = arith.constant 79 : i32
    %scan3A_139 = arith.addi %scan3A_137, %scan3A_138 : i32
    %scan3A_140 = arith.constant 1 : i32
    %scan3A_141 = scf.for %scan3A_156 = %scan3A_137 to %scan3A_139 step %scan3A_140 iter_args(%scan3A_157 = %scan3A_136) -> (i32)  : i32 {
      %dma_start3A = arith.constant 0 : i32
      %dma_start3A_158 = tpu.memref_slice %arg10[%scan3A_156, %dma_start3A] : memref<79x128xi32, #tpu.memory_space<vmem>> -> memref<1x128xi32, #tpu.memory_space<vmem>>
      %dma_start3A_159 = tpu.memref_squeeze %dma_start3A_158 : memref<1x128xi32, #tpu.memory_space<vmem>> -> memref<128xi32, #tpu.memory_space<vmem>>
      %dma_start3A_160 = arith.constant 0 : i32
      %dma_start3A_161 = arith.constant 0 : i32
      %dma_start3A_162 = tpu.memref_slice %arg6[%dma_start3A_160, %dma_start3A_161] : memref<20224x16xf32, #tpu.memory_space<hbm>> -> memref<20224x16xf32, #tpu.memory_space<hbm>>
      tpu.enqueue_indirect_dma source(%dma_start3A_162 : memref<20224x16xf32, #tpu.memory_space<hbm>>) target(%arg12 : memref<128x16xf32, #tpu.memory_space<vmem>>) offsets(%dma_start3A_159 : memref<128xi32, #tpu.memory_space<vmem>>) semaphore(%arg17 : memref<!tpu.dma_semaphore, #tpu.memory_space<semaphore_mem>>)
      %dma_wait3A = arith.constant 0 : i32
      %dma_wait3A_163 = tpu.memref_slice %arg10[%scan3A_156, %dma_wait3A] : memref<79x128xi32, #tpu.memory_space<vmem>> -> memref<1x128xi32, #tpu.memory_space<vmem>>
      %dma_wait3A_164 = tpu.memref_squeeze %dma_wait3A_163 : memref<1x128xi32, #tpu.memory_space<vmem>> -> memref<128xi32, #tpu.memory_space<vmem>>
      %dma_wait3A_165 = arith.constant 0 : i32
      %dma_wait3A_166 = arith.constant 0 : i32
      %dma_wait3A_167 = tpu.memref_slice %arg6[%dma_wait3A_165, %dma_wait3A_166] : memref<20224x16xf32, #tpu.memory_space<hbm>> -> memref<20224x16xf32, #tpu.memory_space<hbm>>
      tpu.wait_indirect_dma semaphore(%arg17 : memref<!tpu.dma_semaphore, #tpu.memory_space<semaphore_mem>>) src(%dma_wait3A_167 : memref<20224x16xf32, #tpu.memory_space<hbm>>) dst(%arg12 : memref<128x16xf32, #tpu.memory_space<vmem>>)
      "tpu.region"() ({
        %run_scoped3A = tpu.sem_alloc : memref<!tpu.dma_semaphore, #tpu.memory_space<semaphore_mem>>
        %dma_start3A_169 = arith.constant 0 : i32
        %dma_start3A_170 = tpu.memref_slice %arg11[%scan3A_156, %dma_start3A_169] : memref<79x128xi32, #tpu.memory_space<vmem>> -> memref<1x128xi32, #tpu.memory_space<vmem>>
        %dma_start3A_171 = tpu.memref_squeeze %dma_start3A_170 : memref<1x128xi32, #tpu.memory_space<vmem>> -> memref<128xi32, #tpu.memory_space<vmem>>
        %dma_start3A_172 = arith.constant 0 : i32
        %dma_start3A_173 = arith.constant 0 : i32
        %dma_start3A_174 = tpu.memref_slice %arg8[%dma_start3A_172, %dma_start3A_173] : memref<10112x16xf32, #tpu.memory_space<vmem_shared>> -> memref<10112x16xf32, #tpu.memory_space<vmem_shared>>
        tpu.enqueue_indirect_dma source(%arg12 : memref<128x16xf32, #tpu.memory_space<vmem>>) target(%dma_start3A_174 : memref<10112x16xf32, #tpu.memory_space<vmem_shared>>) offsets(%dma_start3A_171 : memref<128xi32, #tpu.memory_space<vmem>>) semaphore(%run_scoped3A : memref<!tpu.dma_semaphore, #tpu.memory_space<semaphore_mem>>) {add = true}
        %dma_wait3A_175 = arith.constant 0 : i32
        %dma_wait3A_176 = tpu.memref_slice %arg11[%scan3A_156, %dma_wait3A_175] : memref<79x128xi32, #tpu.memory_space<vmem>> -> memref<1x128xi32, #tpu.memory_space<vmem>>
        %dma_wait3A_177 = tpu.memref_squeeze %dma_wait3A_176 : memref<1x128xi32, #tpu.memory_space<vmem>> -> memref<128xi32, #tpu.memory_space<vmem>>
        %dma_wait3A_178 = arith.constant 0 : i32
        %dma_wait3A_179 = arith.constant 0 : i32
        %dma_wait3A_180 = tpu.memref_slice %arg8[%dma_wait3A_178, %dma_wait3A_179] : memref<10112x16xf32, #tpu.memory_space<vmem_shared>> -> memref<10112x16xf32, #tpu.memory_space<vmem_shared>>
        tpu.wait_indirect_dma semaphore(%run_scoped3A : memref<!tpu.dma_semaphore, #tpu.memory_space<semaphore_mem>>) src(%arg12 : memref<128x16xf32, #tpu.memory_space<vmem>>) dst(%dma_wait3A_180 : memref<10112x16xf32, #tpu.memory_space<vmem_shared>>)
        tpu.yield
      }) : () -> ()
      %scan3A_168 = arith.constant 0 : i32
      scf.yield %scan3A_168 : i32
    }
    %scan3A_142 = arith.constant 79 : i32
    %barrier3A_143 = arith.constant 0 : index
    tpu.barrier barrier_id(%barrier3A_143)
    "tpu.region"() ({
      %run_scoped3A = tpu.sem_alloc : memref<!tpu.dma_semaphore, #tpu.memory_space<semaphore_mem>>
      %dma_start3A = arith.constant 0 : i32
      %dma_start3A_156 = tpu.memref_slice %arg8[%mul3A_2, %dma_start3A] : memref<10112x16xf32, #tpu.memory_space<vmem_shared>> -> memref<632x16xf32, #tpu.memory_space<vmem_shared>>
      %dma_start3A_157 = arith.constant 0 : i32
      %dma_start3A_158 = tpu.memref_slice %arg8[%mul3A_2, %dma_start3A_157] : memref<10112x16xf32, #tpu.memory_space<vmem_shared>> -> memref<632x16xf32, #tpu.memory_space<vmem_shared>>
      tpu.enqueue_dma source(%dma_start3A_158 : memref<632x16xf32, #tpu.memory_space<vmem_shared>>) target(%arg14 : memref<632x16xf32, #tpu.memory_space<vmem>>) target_semaphore(%run_scoped3A : memref<!tpu.dma_semaphore, #tpu.memory_space<semaphore_mem>>)
      %dma_wait3A = arith.constant 0 : i32
      %dma_wait3A_159 = tpu.memref_slice %arg8[%mul3A_2, %dma_wait3A] : memref<10112x16xf32, #tpu.memory_space<vmem_shared>> -> memref<632x16xf32, #tpu.memory_space<vmem_shared>>
      %dma_wait3A_160 = arith.constant 0 : i32
      %dma_wait3A_161 = tpu.memref_slice %arg8[%mul3A_2, %dma_wait3A_160] : memref<10112x16xf32, #tpu.memory_space<vmem_shared>> -> memref<632x16xf32, #tpu.memory_space<vmem_shared>>
      tpu.wait_dma2 semaphore(%run_scoped3A : memref<!tpu.dma_semaphore, #tpu.memory_space<semaphore_mem>>) src(%dma_wait3A_161 : memref<632x16xf32, #tpu.memory_space<vmem_shared>>) dst(%arg14 : memref<632x16xf32, #tpu.memory_space<vmem>>)
      tpu.yield
    }) : () -> ()
    %scan3A_144 = arith.constant 0 : i32
    %scan3A_145 = arith.constant 0 : i32
    %scan3A_146 = arith.constant 632 : i32
    %scan3A_147 = arith.addi %scan3A_145, %scan3A_146 : i32
    %scan3A_148 = arith.constant 1 : i32
    %scan3A_149 = scf.for %scan3A_156 = %scan3A_145 to %scan3A_147 step %scan3A_148 iter_args(%scan3A_157 = %scan3A_144) -> (i32)  : i32 {
      %get3A = arith.index_cast %scan3A_156 : i32 to index
      %get3A_158 = arith.constant 0 : index
      %get3A_159 = tpu.vector_load %arg13[%get3A, %get3A_158] {strides = array<i32>} : memref<632x16xf32, #tpu.memory_space<vmem>>, vector<1x16xf32>,
      %get3A_160 = vector.shape_cast %get3A_159 : vector<1x16xf32> to vector<16xf32>
      %get3A_161 = arith.index_cast %scan3A_156 : i32 to index
      %get3A_162 = arith.constant 0 : index
      %get3A_163 = tpu.vector_load %arg14[%get3A_161, %get3A_162] {strides = array<i32>} : memref<632x16xf32, #tpu.memory_space<vmem>>, vector<1x16xf32>,
      %get3A_164 = vector.shape_cast %get3A_163 : vector<1x16xf32> to vector<16xf32>
      %mul3A_165 = arith.mulf %get3A_160, %get3A_164 : vector<16xf32>
      %neg3A = arith.constant 0.000000e+00 : f32
      %neg3A_166 = vector.broadcast %neg3A : f32 to vector<16xf32>
      %neg3A_167 = arith.subf %neg3A_166, %mul3A_165 : vector<16xf32>
      %mul3A_168 = arith.constant 2.000000e+00 : f32
      %mul3A_169 = vector.broadcast %mul3A_168 : f32 to vector<16xf32>
      %mul3A_170 = arith.mulf %mul3A_169, %neg3A_167 : vector<16xf32>
      %get3A_171 = arith.index_cast %scan3A_156 : i32 to index
      %get3A_172 = arith.constant 0 : index
      %get3A_173 = tpu.vector_load %arg16[%get3A_171, %get3A_172] {strides = array<i32>} : memref<632x16xf32, #tpu.memory_space<vmem>>, vector<1x16xf32>,
      %get3A_174 = vector.shape_cast %get3A_173 : vector<1x16xf32> to vector<16xf32>
      %sub3A = arith.subf %mul3A_170, %get3A_174 : vector<16xf32>
      %swap3A = arith.index_cast %scan3A_156 : i32 to index
      %swap3A_175 = arith.constant 0 : index
      %swap3A_176 = tpu.vector_load %arg16[%swap3A, %swap3A_175] {strides = array<i32>} : memref<632x16xf32, #tpu.memory_space<vmem>>, vector<1x16xf32>,
      %swap3A_177 = vector.shape_cast %swap3A_176 : vector<1x16xf32> to vector<16xf32>
      %swap3A_178 = vector.shape_cast %sub3A : vector<16xf32> to vector<1x16xf32>
      tpu.vector_store %arg16[%swap3A, %swap3A_175], %swap3A_178 {strides = array<i32>} : memref<632x16xf32, #tpu.memory_space<vmem>>, vector<1x16xf32>,
      %get3A_179 = arith.index_cast %scan3A_156 : i32 to index
      %get3A_180 = arith.constant 0 : index
      %get3A_181 = tpu.vector_load %arg13[%get3A_179, %get3A_180] {strides = array<i32>} : memref<632x16xf32, #tpu.memory_space<vmem>>, vector<1x16xf32>,
      %get3A_182 = vector.shape_cast %get3A_181 : vector<1x16xf32> to vector<16xf32>
      %mul3A_183 = arith.mulf %get3A_182, %sub3A : vector<16xf32>
      %swap3A_184 = arith.index_cast %scan3A_156 : i32 to index
      %swap3A_185 = arith.constant 0 : index
      %swap3A_186 = tpu.vector_load %arg14[%swap3A_184, %swap3A_185] {strides = array<i32>} : memref<632x16xf32, #tpu.memory_space<vmem>>, vector<1x16xf32>,
      %swap3A_187 = vector.shape_cast %swap3A_186 : vector<1x16xf32> to vector<16xf32>
      %swap3A_188 = vector.shape_cast %mul3A_183 : vector<16xf32> to vector<1x16xf32>
      tpu.vector_store %arg14[%swap3A_184, %swap3A_185], %swap3A_188 {strides = array<i32>} : memref<632x16xf32, #tpu.memory_space<vmem>>, vector<1x16xf32>,
      %scan3A_189 = arith.constant 0 : i32
      scf.yield %scan3A_189 : i32
    }
    %scan3A_150 = arith.constant 632 : i32
    %mul3A_151 = arith.constant 4 : i32
    %mul3A_152 = arith.muli %arg0, %mul3A_151 : i32
    %add3A_153 = arith.constant 3 : i32
    %add3A_154 = arith.addi %mul3A_152, %add3A_153 : i32
    "tpu.region"() ({
      %run_scoped3A = tpu.sem_alloc : memref<!tpu.dma_semaphore, #tpu.memory_space<semaphore_mem>>
      %dma_start3A = arith.constant 0 : i32
      %dma_start3A_156 = tpu.memref_slice %arg5[%add3A_154, %mul3A_2, %dma_start3A] : memref<8x10112x16xf32, #tpu.memory_space<hbm>> -> memref<1x632x16xf32, #tpu.memory_space<hbm>>
      %dma_start3A_157 = tpu.memref_squeeze %dma_start3A_156 : memref<1x632x16xf32, #tpu.memory_space<hbm>> -> memref<632x16xf32, #tpu.memory_space<hbm>>
      %dma_start3A_158 = arith.constant 0 : i32
      %dma_start3A_159 = tpu.memref_slice %arg5[%add3A_154, %mul3A_2, %dma_start3A_158] : memref<8x10112x16xf32, #tpu.memory_space<hbm>> -> memref<1x632x16xf32, #tpu.memory_space<hbm>>
      %dma_start3A_160 = tpu.memref_squeeze %dma_start3A_159 : memref<1x632x16xf32, #tpu.memory_space<hbm>> -> memref<632x16xf32, #tpu.memory_space<hbm>>
      tpu.enqueue_dma source(%arg16 : memref<632x16xf32, #tpu.memory_space<vmem>>) target(%dma_start3A_160 : memref<632x16xf32, #tpu.memory_space<hbm>>) target_semaphore(%run_scoped3A : memref<!tpu.dma_semaphore, #tpu.memory_space<semaphore_mem>>)
      %dma_wait3A = arith.constant 0 : i32
      %dma_wait3A_161 = tpu.memref_slice %arg5[%add3A_154, %mul3A_2, %dma_wait3A] : memref<8x10112x16xf32, #tpu.memory_space<hbm>> -> memref<1x632x16xf32, #tpu.memory_space<hbm>>
      %dma_wait3A_162 = tpu.memref_squeeze %dma_wait3A_161 : memref<1x632x16xf32, #tpu.memory_space<hbm>> -> memref<632x16xf32, #tpu.memory_space<hbm>>
      %dma_wait3A_163 = arith.constant 0 : i32
      %dma_wait3A_164 = tpu.memref_slice %arg5[%add3A_154, %mul3A_2, %dma_wait3A_163] : memref<8x10112x16xf32, #tpu.memory_space<hbm>> -> memref<1x632x16xf32, #tpu.memory_space<hbm>>
      %dma_wait3A_165 = tpu.memref_squeeze %dma_wait3A_164 : memref<1x632x16xf32, #tpu.memory_space<hbm>> -> memref<632x16xf32, #tpu.memory_space<hbm>>
      tpu.wait_dma2 semaphore(%run_scoped3A : memref<!tpu.dma_semaphore, #tpu.memory_space<semaphore_mem>>) src(%arg16 : memref<632x16xf32, #tpu.memory_space<vmem>>) dst(%dma_wait3A_165 : memref<632x16xf32, #tpu.memory_space<hbm>>)
      tpu.yield
    }) : () -> ()
    %barrier3A_155 = arith.constant 0 : index
    tpu.barrier barrier_id(%barrier3A_155)
    return
  }
}

module attributes {stable_mosaic.version = 14 : i64} {
  func.func @_tc_body(%arg0: memref<2x10112x80xf32, #tpu.memory_space<vmem>>, %arg1: memref<2x80x32xf32, #tpu.memory_space<vmem>>, %arg2: memref<2x1x32xf32, #tpu.memory_space<vmem>>, %arg3: memref<32x128xf32, #tpu.memory_space<vmem>>, %arg4: memref<128x128xf32, #tpu.memory_space<vmem>>, %arg5: memref<1x128xf32, #tpu.memory_space<vmem>>, %arg6: memref<1x128xf32, #tpu.memory_space<vmem>>, %arg7: memref<1x128xf32, #tpu.memory_space<vmem>>, %arg8: memref<1x128xf32, #tpu.memory_space<vmem>>, %arg9: memref<2x128x16xf32, #tpu.memory_space<vmem>>, %arg10: memref<2x1x16xf32, #tpu.memory_space<vmem>>, %arg11: memref<10000x10xf32, #tpu.memory_space<vmem>>, %arg12: memref<10000x10xf32, #tpu.memory_space<vmem>>, %arg13: memref<10112x128xf32, #tpu.memory_space<vmem>>, %arg14: memref<10112x128xf32, #tpu.memory_space<vmem>>, %arg15: memref<10000x128xf32, #tpu.memory_space<vmem>>, %arg16: memref<10000x128xf32, #tpu.memory_space<vmem>>) attributes {dimension_semantics = [], scalar_prefetch = 0 : i64, scratch_operands = 4 : i64, tpu.core_type = #tpu.core_type<tc>} {
    %get3A = arith.constant 0 : index
    %get3A_0 = arith.constant 0 : index
    %get3A_1 = vector.load %arg4[%get3A, %get3A_0] : memref<128x128xf32, #tpu.memory_space<vmem>>, vector<128x128xf32>
    %get3A_2 = arith.constant 0 : index
    %get3A_3 = arith.constant 0 : index
    %get3A_4 = vector.load %arg5[%get3A_2, %get3A_3] : memref<1x128xf32, #tpu.memory_space<vmem>>, vector<1x128xf32>
    %get3A_5 = arith.constant 0 : index
    %get3A_6 = arith.constant 0 : index
    %get3A_7 = vector.load %arg6[%get3A_5, %get3A_6] : memref<1x128xf32, #tpu.memory_space<vmem>>, vector<1x128xf32>
    %get3A_8 = arith.constant 0 : index
    %get3A_9 = arith.constant 0 : index
    %get3A_10 = vector.load %arg7[%get3A_8, %get3A_9] : memref<1x128xf32, #tpu.memory_space<vmem>>, vector<1x128xf32>
    %get3A_11 = arith.constant 0 : index
    %get3A_12 = arith.constant 0 : index
    %get3A_13 = vector.load %arg8[%get3A_11, %get3A_12] : memref<1x128xf32, #tpu.memory_space<vmem>>, vector<1x128xf32>
    %get3A_14 = arith.constant 0 : index
    %get3A_15 = arith.constant 0 : index
    %get3A_16 = arith.constant 0 : index
    %get3A_17 = vector.load %arg0[%get3A_14, %get3A_15, %get3A_16] : memref<2x10112x80xf32, #tpu.memory_space<vmem>>, vector<1x10112x80xf32>
    %get3A_18 = vector.shape_cast %get3A_17 : vector<1x10112x80xf32> to vector<10112x80xf32>
    %get3A_19 = arith.constant 0 : index
    %get3A_20 = arith.constant 0 : index
    %get3A_21 = arith.constant 0 : index
    %get3A_22 = vector.load %arg1[%get3A_19, %get3A_20, %get3A_21] : memref<2x80x32xf32, #tpu.memory_space<vmem>>, vector<1x80x32xf32>
    %get3A_23 = vector.shape_cast %get3A_22 : vector<1x80x32xf32> to vector<80x32xf32>
    %dot_general3A = arith.constant dense<0.000000e+00> : vector<10112x32xf32>
    %dot_general3A_24 = tpu.matmul %get3A_18, %get3A_23, %dot_general3A {dimension_numbers = #tpu.dot_dimension_numbers<[1], [0], [0], [1], [0, 0, 1, 1], [], []>, transpose_lhs_hint = false} : vector<10112x80xf32>, vector<80x32xf32>, vector<10112x32xf32> -> vector<10112x32xf32>
    %get3A_25 = arith.constant 0 : index
    %get3A_26 = arith.constant 0 : index
    %get3A_27 = arith.constant 0 : index
    %get3A_28 = vector.load %arg2[%get3A_25, %get3A_26, %get3A_27] : memref<2x1x32xf32, #tpu.memory_space<vmem>>, vector<1x1x32xf32>
    %get3A_29 = vector.shape_cast %get3A_28 : vector<1x1x32xf32> to vector<1x32xf32>
    %add3A = vector.broadcast %get3A_29 : vector<1x32xf32> to vector<10112x32xf32>
    %add3A_30 = arith.addf %dot_general3A_24, %add3A : vector<10112x32xf32>
    %logistic3A = arith.negf %add3A_30 : vector<10112x32xf32>
    %logistic3A_31 = math.exp %logistic3A : vector<10112x32xf32>
    %logistic3A_32 = arith.constant 1.000000e+00 : f32
    %logistic3A_33 = vector.broadcast %logistic3A_32 : f32 to vector<10112x32xf32>
    %logistic3A_34 = arith.addf %logistic3A_33, %logistic3A_31 : vector<10112x32xf32>
    %logistic3A_35 = arith.divf %logistic3A_33, %logistic3A_34 : vector<10112x32xf32>
    %get3A_36 = arith.constant 0 : index
    %get3A_37 = arith.constant 0 : index
    %get3A_38 = vector.load %arg3[%get3A_36, %get3A_37] : memref<32x128xf32, #tpu.memory_space<vmem>>, vector<32x128xf32>
    %dot_general3A_39 = arith.constant dense<0.000000e+00> : vector<10112x128xf32>
    %dot_general3A_40 = tpu.matmul %logistic3A_35, %get3A_38, %dot_general3A_39 {dimension_numbers = #tpu.dot_dimension_numbers<[1], [0], [0], [1], [0, 0, 1, 1], [], []>, transpose_lhs_hint = false} : vector<10112x32xf32>, vector<32x128xf32>, vector<10112x128xf32> -> vector<10112x128xf32>
    %add3A_41 = vector.broadcast %get3A_4 : vector<1x128xf32> to vector<10112x128xf32>
    %add3A_42 = arith.addf %dot_general3A_40, %add3A_41 : vector<10112x128xf32>
    %mul3A = vector.broadcast %get3A_7 : vector<1x128xf32> to vector<10112x128xf32>
    %mul3A_43 = arith.mulf %add3A_42, %mul3A : vector<10112x128xf32>
    %swap3A = arith.constant 0 : index
    %swap3A_44 = arith.constant 0 : index
    %swap3A_45 = vector.load %arg13[%swap3A, %swap3A_44] : memref<10112x128xf32, #tpu.memory_space<vmem>>, vector<10112x128xf32>
    tpu.vector_store %arg13[%swap3A, %swap3A_44], %mul3A_43 {strides = array<i32>} : memref<10112x128xf32, #tpu.memory_space<vmem>>, vector<10112x128xf32>,
    %get3A_46 = arith.constant 1 : index
    %get3A_47 = arith.constant 0 : index
    %get3A_48 = arith.constant 0 : index
    %get3A_49 = vector.load %arg0[%get3A_46, %get3A_47, %get3A_48] : memref<2x10112x80xf32, #tpu.memory_space<vmem>>, vector<1x10112x80xf32>
    %get3A_50 = vector.shape_cast %get3A_49 : vector<1x10112x80xf32> to vector<10112x80xf32>
    %get3A_51 = arith.constant 1 : index
    %get3A_52 = arith.constant 0 : index
    %get3A_53 = arith.constant 0 : index
    %get3A_54 = vector.load %arg1[%get3A_51, %get3A_52, %get3A_53] : memref<2x80x32xf32, #tpu.memory_space<vmem>>, vector<1x80x32xf32>
    %get3A_55 = vector.shape_cast %get3A_54 : vector<1x80x32xf32> to vector<80x32xf32>
    %dot_general3A_56 = arith.constant dense<0.000000e+00> : vector<10112x32xf32>
    %dot_general3A_57 = tpu.matmul %get3A_50, %get3A_55, %dot_general3A_56 {dimension_numbers = #tpu.dot_dimension_numbers<[1], [0], [0], [1], [0, 0, 1, 1], [], []>, transpose_lhs_hint = false} : vector<10112x80xf32>, vector<80x32xf32>, vector<10112x32xf32> -> vector<10112x32xf32>
    %get3A_58 = arith.constant 1 : index
    %get3A_59 = arith.constant 0 : index
    %get3A_60 = arith.constant 0 : index
    %get3A_61 = vector.load %arg2[%get3A_58, %get3A_59, %get3A_60] : memref<2x1x32xf32, #tpu.memory_space<vmem>>, vector<1x1x32xf32>
    %get3A_62 = vector.shape_cast %get3A_61 : vector<1x1x32xf32> to vector<1x32xf32>
    %add3A_63 = vector.broadcast %get3A_62 : vector<1x32xf32> to vector<10112x32xf32>
    %add3A_64 = arith.addf %dot_general3A_57, %add3A_63 : vector<10112x32xf32>
    %logistic3A_65 = arith.negf %add3A_64 : vector<10112x32xf32>
    %logistic3A_66 = math.exp %logistic3A_65 : vector<10112x32xf32>
    %logistic3A_67 = arith.constant 1.000000e+00 : f32
    %logistic3A_68 = vector.broadcast %logistic3A_67 : f32 to vector<10112x32xf32>
    %logistic3A_69 = arith.addf %logistic3A_68, %logistic3A_66 : vector<10112x32xf32>
    %logistic3A_70 = arith.divf %logistic3A_68, %logistic3A_69 : vector<10112x32xf32>
    %get3A_71 = arith.constant 0 : index
    %get3A_72 = arith.constant 0 : index
    %get3A_73 = vector.load %arg3[%get3A_71, %get3A_72] : memref<32x128xf32, #tpu.memory_space<vmem>>, vector<32x128xf32>
    %dot_general3A_74 = arith.constant dense<0.000000e+00> : vector<10112x128xf32>
    %dot_general3A_75 = tpu.matmul %logistic3A_70, %get3A_73, %dot_general3A_74 {dimension_numbers = #tpu.dot_dimension_numbers<[1], [0], [0], [1], [0, 0, 1, 1], [], []>, transpose_lhs_hint = false} : vector<10112x32xf32>, vector<32x128xf32>, vector<10112x128xf32> -> vector<10112x128xf32>
    %add3A_76 = vector.broadcast %get3A_4 : vector<1x128xf32> to vector<10112x128xf32>
    %add3A_77 = arith.addf %dot_general3A_75, %add3A_76 : vector<10112x128xf32>
    %mul3A_78 = vector.broadcast %get3A_7 : vector<1x128xf32> to vector<10112x128xf32>
    %mul3A_79 = arith.mulf %add3A_77, %mul3A_78 : vector<10112x128xf32>
    %swap3A_80 = arith.constant 0 : index
    %swap3A_81 = arith.constant 0 : index
    %swap3A_82 = vector.load %arg14[%swap3A_80, %swap3A_81] : memref<10112x128xf32, #tpu.memory_space<vmem>>, vector<10112x128xf32>
    tpu.vector_store %arg14[%swap3A_80, %swap3A_81], %mul3A_79 {strides = array<i32>} : memref<10112x128xf32, #tpu.memory_space<vmem>>, vector<10112x128xf32>,
    %broadcast_in_dim3A = arith.constant 0.000000e+00 : f32
    %broadcast_in_dim3A_83 = vector.broadcast %broadcast_in_dim3A : f32 to vector<1x128xf32>
    %broadcast_in_dim3A_84 = arith.constant 0.000000e+00 : f32
    %broadcast_in_dim3A_85 = vector.broadcast %broadcast_in_dim3A_84 : f32 to vector<1x128xf32>
    %scan3A = arith.constant 0 : i32
    %scan3A_86 = arith.constant 10000 : i32
    %scan3A_87 = arith.addi %scan3A, %scan3A_86 : i32
    %scan3A_88 = arith.constant 1 : i32
    %scan3A_89:2 = scf.for %scan3A_163 = %scan3A to %scan3A_87 step %scan3A_88 iter_args(%scan3A_164 = %broadcast_in_dim3A_83, %scan3A_165 = %broadcast_in_dim3A_85) -> (vector<1x128xf32>, vector<1x128xf32>)  : i32 {
      %get3A_166 = arith.index_cast %scan3A_163 : i32 to index
      %get3A_167 = arith.constant 0 : index
      %get3A_168 = vector.load %arg13[%get3A_166, %get3A_167] : memref<10112x128xf32, #tpu.memory_space<vmem>>, vector<1x128xf32>
      %dot_general3A_169 = arith.constant dense<0.000000e+00> : vector<1x128xf32>
      %dot_general3A_170 = tpu.matmul %scan3A_164, %get3A_1, %dot_general3A_169 {dimension_numbers = #tpu.dot_dimension_numbers<[1], [0], [0], [1], [0, 0, 1, 1], [], []>, transpose_lhs_hint = false} : vector<1x128xf32>, vector<128x128xf32>, vector<1x128xf32> -> vector<1x128xf32>
      %add3A_171 = arith.addf %get3A_168, %dot_general3A_170 : vector<1x128xf32>
      %tanh3A_172 = math.tanh %add3A_171 : vector<1x128xf32>
      %mul3A_173 = arith.mulf %get3A_10, %tanh3A_172 : vector<1x128xf32>
      %add3A_174 = arith.addf %mul3A_173, %get3A_13 : vector<1x128xf32>
      %roll3A = arith.constant 32 : i32
      %roll3A_175 = tpu.dynamic_rotate %add3A_174 by %roll3A dim 1 : vector<1x128xf32>, i32 -> vector<1x128xf32>
      %roll3A_176 = arith.constant 96 : i32
      %roll3A_177 = tpu.dynamic_rotate %add3A_174 by %roll3A_176 dim 1 : vector<1x128xf32>, i32 -> vector<1x128xf32>
      %roll3A_178 = arith.constant 64 : i32
      %roll3A_179 = tpu.dynamic_rotate %add3A_174 by %roll3A_178 dim 1 : vector<1x128xf32>, i32 -> vector<1x128xf32>
      %mul3A_180 = arith.mulf %add3A_174, %scan3A_165 : vector<1x128xf32>
      %mul3A_181 = arith.mulf %roll3A_175, %roll3A_177 : vector<1x128xf32>
      %add3A_182 = arith.addf %mul3A_180, %mul3A_181 : vector<1x128xf32>
      %tanh3A_183 = math.tanh %add3A_182 : vector<1x128xf32>
      %mul3A_184 = arith.mulf %roll3A_179, %tanh3A_183 : vector<1x128xf32>
      scf.yield %mul3A_184, %add3A_182 : vector<1x128xf32>, vector<1x128xf32>
    }
    %scan3A_90 = arith.constant 10000 : i32
    %scan3A_91 = arith.constant 0 : i32
    %scan3A_92 = arith.constant 10000 : i32
    %scan3A_93 = arith.addi %scan3A_91, %scan3A_92 : i32
    %scan3A_94 = arith.constant 1 : i32
    %scan3A_95:2 = scf.for %scan3A_163 = %scan3A_91 to %scan3A_93 step %scan3A_94 iter_args(%scan3A_164 = %scan3A_89#0, %scan3A_165 = %scan3A_89#1) -> (vector<1x128xf32>, vector<1x128xf32>)  : i32 {
      %get3A_166 = arith.index_cast %scan3A_163 : i32 to index
      %get3A_167 = arith.constant 0 : index
      %get3A_168 = vector.load %arg14[%get3A_166, %get3A_167] : memref<10112x128xf32, #tpu.memory_space<vmem>>, vector<1x128xf32>
      %dot_general3A_169 = arith.constant dense<0.000000e+00> : vector<1x128xf32>
      %dot_general3A_170 = tpu.matmul %scan3A_164, %get3A_1, %dot_general3A_169 {dimension_numbers = #tpu.dot_dimension_numbers<[1], [0], [0], [1], [0, 0, 1, 1], [], []>, transpose_lhs_hint = false} : vector<1x128xf32>, vector<128x128xf32>, vector<1x128xf32> -> vector<1x128xf32>
      %add3A_171 = arith.addf %get3A_168, %dot_general3A_170 : vector<1x128xf32>
      %tanh3A_172 = math.tanh %add3A_171 : vector<1x128xf32>
      %mul3A_173 = arith.mulf %get3A_10, %tanh3A_172 : vector<1x128xf32>
      %add3A_174 = arith.addf %mul3A_173, %get3A_13 : vector<1x128xf32>
      %roll3A = arith.constant 32 : i32
      %roll3A_175 = tpu.dynamic_rotate %add3A_174 by %roll3A dim 1 : vector<1x128xf32>, i32 -> vector<1x128xf32>
      %roll3A_176 = arith.constant 96 : i32
      %roll3A_177 = tpu.dynamic_rotate %add3A_174 by %roll3A_176 dim 1 : vector<1x128xf32>, i32 -> vector<1x128xf32>
      %roll3A_178 = arith.constant 64 : i32
      %roll3A_179 = tpu.dynamic_rotate %add3A_174 by %roll3A_178 dim 1 : vector<1x128xf32>, i32 -> vector<1x128xf32>
      %mul3A_180 = arith.mulf %add3A_174, %scan3A_165 : vector<1x128xf32>
      %mul3A_181 = arith.mulf %roll3A_175, %roll3A_177 : vector<1x128xf32>
      %add3A_182 = arith.addf %mul3A_180, %mul3A_181 : vector<1x128xf32>
      %tanh3A_183 = math.tanh %add3A_182 : vector<1x128xf32>
      %mul3A_184 = arith.mulf %roll3A_179, %tanh3A_183 : vector<1x128xf32>
      scf.yield %mul3A_184, %add3A_182 : vector<1x128xf32>, vector<1x128xf32>
    }
    %scan3A_96 = arith.constant 10000 : i32
    %scan3A_97 = arith.constant 0 : i32
    %scan3A_98 = arith.constant 10000 : i32
    %scan3A_99 = arith.addi %scan3A_97, %scan3A_98 : i32
    %scan3A_100 = arith.constant 1 : i32
    %scan3A_101:2 = scf.for %scan3A_163 = %scan3A_97 to %scan3A_99 step %scan3A_100 iter_args(%scan3A_164 = %scan3A_95#0, %scan3A_165 = %scan3A_95#1) -> (vector<1x128xf32>, vector<1x128xf32>)  : i32 {
      %get3A_166 = arith.index_cast %scan3A_163 : i32 to index
      %get3A_167 = arith.constant 0 : index
      %get3A_168 = vector.load %arg13[%get3A_166, %get3A_167] : memref<10112x128xf32, #tpu.memory_space<vmem>>, vector<1x128xf32>
      %dot_general3A_169 = arith.constant dense<0.000000e+00> : vector<1x128xf32>
      %dot_general3A_170 = tpu.matmul %scan3A_164, %get3A_1, %dot_general3A_169 {dimension_numbers = #tpu.dot_dimension_numbers<[1], [0], [0], [1], [0, 0, 1, 1], [], []>, transpose_lhs_hint = false} : vector<1x128xf32>, vector<128x128xf32>, vector<1x128xf32> -> vector<1x128xf32>
      %add3A_171 = arith.addf %get3A_168, %dot_general3A_170 : vector<1x128xf32>
      %tanh3A_172 = math.tanh %add3A_171 : vector<1x128xf32>
      %mul3A_173 = arith.mulf %get3A_10, %tanh3A_172 : vector<1x128xf32>
      %add3A_174 = arith.addf %mul3A_173, %get3A_13 : vector<1x128xf32>
      %roll3A = arith.constant 32 : i32
      %roll3A_175 = tpu.dynamic_rotate %add3A_174 by %roll3A dim 1 : vector<1x128xf32>, i32 -> vector<1x128xf32>
      %roll3A_176 = arith.constant 96 : i32
      %roll3A_177 = tpu.dynamic_rotate %add3A_174 by %roll3A_176 dim 1 : vector<1x128xf32>, i32 -> vector<1x128xf32>
      %roll3A_178 = arith.constant 64 : i32
      %roll3A_179 = tpu.dynamic_rotate %add3A_174 by %roll3A_178 dim 1 : vector<1x128xf32>, i32 -> vector<1x128xf32>
      %mul3A_180 = arith.mulf %add3A_174, %scan3A_165 : vector<1x128xf32>
      %mul3A_181 = arith.mulf %roll3A_175, %roll3A_177 : vector<1x128xf32>
      %add3A_182 = arith.addf %mul3A_180, %mul3A_181 : vector<1x128xf32>
      %tanh3A_183 = math.tanh %add3A_182 : vector<1x128xf32>
      %mul3A_184 = arith.mulf %roll3A_179, %tanh3A_183 : vector<1x128xf32>
      %swap3A_185 = arith.index_cast %scan3A_163 : i32 to index
      %swap3A_186 = arith.constant 0 : index
      %swap3A_187 = vector.load %arg15[%swap3A_185, %swap3A_186] : memref<10000x128xf32, #tpu.memory_space<vmem>>, vector<1x128xf32>
      tpu.vector_store %arg15[%swap3A_185, %swap3A_186], %mul3A_184 {strides = array<i32>} : memref<10000x128xf32, #tpu.memory_space<vmem>>, vector<1x128xf32>,
      scf.yield %mul3A_184, %add3A_182 : vector<1x128xf32>, vector<1x128xf32>
    }
    %scan3A_102 = arith.constant 10000 : i32
    %scan3A_103 = arith.constant 0 : i32
    %scan3A_104 = arith.constant 10000 : i32
    %scan3A_105 = arith.addi %scan3A_103, %scan3A_104 : i32
    %scan3A_106 = arith.constant 1 : i32
    %scan3A_107:2 = scf.for %scan3A_163 = %scan3A_103 to %scan3A_105 step %scan3A_106 iter_args(%scan3A_164 = %scan3A_101#0, %scan3A_165 = %scan3A_101#1) -> (vector<1x128xf32>, vector<1x128xf32>)  : i32 {
      %get3A_166 = arith.index_cast %scan3A_163 : i32 to index
      %get3A_167 = arith.constant 0 : index
      %get3A_168 = vector.load %arg14[%get3A_166, %get3A_167] : memref<10112x128xf32, #tpu.memory_space<vmem>>, vector<1x128xf32>
      %dot_general3A_169 = arith.constant dense<0.000000e+00> : vector<1x128xf32>
      %dot_general3A_170 = tpu.matmul %scan3A_164, %get3A_1, %dot_general3A_169 {dimension_numbers = #tpu.dot_dimension_numbers<[1], [0], [0], [1], [0, 0, 1, 1], [], []>, transpose_lhs_hint = false} : vector<1x128xf32>, vector<128x128xf32>, vector<1x128xf32> -> vector<1x128xf32>
      %add3A_171 = arith.addf %get3A_168, %dot_general3A_170 : vector<1x128xf32>
      %tanh3A_172 = math.tanh %add3A_171 : vector<1x128xf32>
      %mul3A_173 = arith.mulf %get3A_10, %tanh3A_172 : vector<1x128xf32>
      %add3A_174 = arith.addf %mul3A_173, %get3A_13 : vector<1x128xf32>
      %roll3A = arith.constant 32 : i32
      %roll3A_175 = tpu.dynamic_rotate %add3A_174 by %roll3A dim 1 : vector<1x128xf32>, i32 -> vector<1x128xf32>
      %roll3A_176 = arith.constant 96 : i32
      %roll3A_177 = tpu.dynamic_rotate %add3A_174 by %roll3A_176 dim 1 : vector<1x128xf32>, i32 -> vector<1x128xf32>
      %roll3A_178 = arith.constant 64 : i32
      %roll3A_179 = tpu.dynamic_rotate %add3A_174 by %roll3A_178 dim 1 : vector<1x128xf32>, i32 -> vector<1x128xf32>
      %mul3A_180 = arith.mulf %add3A_174, %scan3A_165 : vector<1x128xf32>
      %mul3A_181 = arith.mulf %roll3A_175, %roll3A_177 : vector<1x128xf32>
      %add3A_182 = arith.addf %mul3A_180, %mul3A_181 : vector<1x128xf32>
      %tanh3A_183 = math.tanh %add3A_182 : vector<1x128xf32>
      %mul3A_184 = arith.mulf %roll3A_179, %tanh3A_183 : vector<1x128xf32>
      %swap3A_185 = arith.index_cast %scan3A_163 : i32 to index
      %swap3A_186 = arith.constant 0 : index
      %swap3A_187 = vector.load %arg16[%swap3A_185, %swap3A_186] : memref<10000x128xf32, #tpu.memory_space<vmem>>, vector<1x128xf32>
      tpu.vector_store %arg16[%swap3A_185, %swap3A_186], %mul3A_184 {strides = array<i32>} : memref<10000x128xf32, #tpu.memory_space<vmem>>, vector<1x128xf32>,
      scf.yield %mul3A_184, %add3A_182 : vector<1x128xf32>, vector<1x128xf32>
    }
    %scan3A_108 = arith.constant 10000 : i32
    %get3A_109 = arith.constant 0 : index
    %get3A_110 = arith.constant 0 : index
    %get3A_111 = vector.load %arg15[%get3A_109, %get3A_110] : memref<10000x128xf32, #tpu.memory_space<vmem>>, vector<10000x128xf32>
    %get3A_112 = arith.constant 0 : index
    %get3A_113 = arith.constant 0 : index
    %get3A_114 = arith.constant 0 : index
    %get3A_115 = vector.load %arg9[%get3A_112, %get3A_113, %get3A_114] : memref<2x128x16xf32, #tpu.memory_space<vmem>>, vector<1x128x16xf32>
    %get3A_116 = vector.shape_cast %get3A_115 : vector<1x128x16xf32> to vector<128x16xf32>
    %dot_general3A_117 = arith.constant dense<0.000000e+00> : vector<10000x16xf32>
    %dot_general3A_118 = tpu.matmul %get3A_111, %get3A_116, %dot_general3A_117 {dimension_numbers = #tpu.dot_dimension_numbers<[1], [0], [0], [1], [0, 0, 1, 1], [], []>, transpose_lhs_hint = false} : vector<10000x128xf32>, vector<128x16xf32>, vector<10000x16xf32> -> vector<10000x16xf32>
    %get3A_119 = arith.constant 0 : index
    %get3A_120 = arith.constant 0 : index
    %get3A_121 = arith.constant 0 : index
    %get3A_122 = vector.load %arg10[%get3A_119, %get3A_120, %get3A_121] : memref<2x1x16xf32, #tpu.memory_space<vmem>>, vector<1x1x16xf32>
    %get3A_123 = vector.shape_cast %get3A_122 : vector<1x1x16xf32> to vector<1x16xf32>
    %add3A_124 = vector.broadcast %get3A_123 : vector<1x16xf32> to vector<10000x16xf32>
    %add3A_125 = arith.addf %dot_general3A_118, %add3A_124 : vector<10000x16xf32>
    %tanh3A = math.tanh %add3A_125 : vector<10000x16xf32>
    %get3A_126 = arith.constant 0 : index
    %get3A_127 = arith.constant 0 : index
    %get3A_128 = arith.constant 0 : index
    %get3A_129 = vector.load %arg0[%get3A_126, %get3A_127, %get3A_128] : memref<2x10112x80xf32, #tpu.memory_space<vmem>>, vector<1x10000x10xf32>
    %get3A_130 = vector.shape_cast %get3A_129 : vector<1x10000x10xf32> to vector<10000x10xf32>
    %slice3A = vector.extract_strided_slice %tanh3A {offsets = [0, 0], sizes = [10000, 10], strides = [1, 1]} : vector<10000x16xf32> to vector<10000x10xf32>
    %add3A_131 = arith.addf %get3A_130, %slice3A : vector<10000x10xf32>
    %swap3A_132 = arith.constant 0 : index
    %swap3A_133 = arith.constant 0 : index
    %swap3A_134 = vector.load %arg11[%swap3A_132, %swap3A_133] : memref<10000x10xf32, #tpu.memory_space<vmem>>, vector<10000x10xf32>
    tpu.vector_store %arg11[%swap3A_132, %swap3A_133], %add3A_131 {strides = array<i32>} : memref<10000x10xf32, #tpu.memory_space<vmem>>, vector<10000x10xf32>,
    %get3A_135 = arith.constant 0 : index
    %get3A_136 = arith.constant 0 : index
    %get3A_137 = vector.load %arg16[%get3A_135, %get3A_136] : memref<10000x128xf32, #tpu.memory_space<vmem>>, vector<10000x128xf32>
    %get3A_138 = arith.constant 1 : index
    %get3A_139 = arith.constant 0 : index
    %get3A_140 = arith.constant 0 : index
    %get3A_141 = vector.load %arg9[%get3A_138, %get3A_139, %get3A_140] : memref<2x128x16xf32, #tpu.memory_space<vmem>>, vector<1x128x16xf32>
    %get3A_142 = vector.shape_cast %get3A_141 : vector<1x128x16xf32> to vector<128x16xf32>
    %dot_general3A_143 = arith.constant dense<0.000000e+00> : vector<10000x16xf32>
    %dot_general3A_144 = tpu.matmul %get3A_137, %get3A_142, %dot_general3A_143 {dimension_numbers = #tpu.dot_dimension_numbers<[1], [0], [0], [1], [0, 0, 1, 1], [], []>, transpose_lhs_hint = false} : vector<10000x128xf32>, vector<128x16xf32>, vector<10000x16xf32> -> vector<10000x16xf32>
    %get3A_145 = arith.constant 1 : index
    %get3A_146 = arith.constant 0 : index
    %get3A_147 = arith.constant 0 : index
    %get3A_148 = vector.load %arg10[%get3A_145, %get3A_146, %get3A_147] : memref<2x1x16xf32, #tpu.memory_space<vmem>>, vector<1x1x16xf32>
    %get3A_149 = vector.shape_cast %get3A_148 : vector<1x1x16xf32> to vector<1x16xf32>
    %add3A_150 = vector.broadcast %get3A_149 : vector<1x16xf32> to vector<10000x16xf32>
    %add3A_151 = arith.addf %dot_general3A_144, %add3A_150 : vector<10000x16xf32>
    %tanh3A_152 = math.tanh %add3A_151 : vector<10000x16xf32>
    %get3A_153 = arith.constant 1 : index
    %get3A_154 = arith.constant 0 : index
    %get3A_155 = arith.constant 0 : index
    %get3A_156 = vector.load %arg0[%get3A_153, %get3A_154, %get3A_155] : memref<2x10112x80xf32, #tpu.memory_space<vmem>>, vector<1x10000x10xf32>
    %get3A_157 = vector.shape_cast %get3A_156 : vector<1x10000x10xf32> to vector<10000x10xf32>
    %slice3A_158 = vector.extract_strided_slice %tanh3A_152 {offsets = [0, 0], sizes = [10000, 10], strides = [1, 1]} : vector<10000x16xf32> to vector<10000x10xf32>
    %add3A_159 = arith.addf %get3A_157, %slice3A_158 : vector<10000x10xf32>
    %swap3A_160 = arith.constant 0 : index
    %swap3A_161 = arith.constant 0 : index
    %swap3A_162 = vector.load %arg12[%swap3A_160, %swap3A_161] : memref<10000x10xf32, #tpu.memory_space<vmem>>, vector<10000x10xf32>
    tpu.vector_store %arg12[%swap3A_160, %swap3A_161], %add3A_159 {strides = array<i32>} : memref<10000x10xf32, #tpu.memory_space<vmem>>, vector<10000x10xf32>,
    return
  }
}

</mosaic_0001>

<sc_bundles>
// kernel: kernel.4.cloned.1.call-start
scs
__scs_entry_jumppad:
0x0: {  	(pc) =	sbr.rel $0x88, $3  }
0x1: {  	(tag) =	ssettag $0x0;
	lr =	simm.s32 $0x1  }
0x2: {  	[smem:$0x3F91] =	sst lr;
	_ =	strace $0xD0000000  }
0x3: {  	_ = 	snop  }
0x4: {  	_ = 	snop  }
0x5: {  	_ = 	snop  }
0x6: {  	_ = 	snop  }
0x7: {  	_ = 	snop  }
__scs_overlays_trampoline_lowered:
0x8: {  	[smem:$0x3FA0] =	sst s0  }
0x9: {  	[smem:$0x3FA1] =	sst s1  }
0xa: {  	[smem:$0x3FA2] =	sst s2  }
0xb: {  	[smem:$0x3FA3] =	sst s3  }
0xc: {  	[smem:$0x3FA4] =	sst s4  }
0xd: {  	[smem:$0x3FA5] =	sst s5  }
0xe: {  	[smem:$0x3FA6] =	sst s6  }
0xf: {  	[smem:$0x3FA7] =	sst s7  }
0x10: {  	[smem:$0x3FA8] =	sst s8  }
0x11: {  	[smem:$0x3FA9] =	sst s9;
	s0 =	simm.s32 @!p0 $0x0  }
0x12: {  	s1 =	sld [smem:$0x3F8F];
	s0 =	simm.s32 @p0 $0x1  }
0x13: {  	[smem:$0x3FAA] =	sst s0;
	s0 =	simm.s32 @!p1 $0x0  }
0x14: {  	s2 =	sld [smem:$0x3F8E];
	s0 =	simm.s32 @p1 $0x1  }
0x15: {  	[smem:$0x3FAB] =	sst s0;
	s0 =	simm.s32 @!p2 $0x0  }
0x16: {  	s3 =	sld [smem:$0x3FDB];
	s0 =	simm.s32 @p2 $0x1  }
0x17: {  	s4 =	simm.s32 $0x1BF5;
	[smem:$0x3FAD] =	sst s0  }
0x18: {  	s0 =	sld [smem:$0x3F90];
	_ =	swait.ge [sflag:s4], $0x0  }
0x19: {  	s7 =	sld [smem:$0x3F91]  }
0x1a: {  	s8 =	sadd.s32 $0xFFFFE003, lr  }
0x1b: {  	s9 =	sadd.s32 $0xFFFFFEF7, lr;
	s5 =	simm.s32 $0xFFFFFFFF;
	p2 =	slt.u32 s8, $0xFFFFF086  }
0x1c: {  	p1 =	slt.u32 s9, $0xF7A;
	s5 =	simm.s32 @!p2 $0x0  }
0x1d: {  	s5 =	simm.s32 @p1 $0x1;
	p0 =	seq.s32 s7, s2  }
0x1e: {  	s7 =	smul.u32 @!p0 $0xF7A, s2;
	p2 =	seq.s32 @!p0 s5, $0x0  }
0x1f: {  	s9 =	smul.u32 $0xF7A, s1;
	s8 =	simm.s32 @!p0 $0x1BF5;
	p2 =	por !p2, p0  }
0x20: {  	[sflag:s8] =	ssyncset.s32 @!p0 $0xFFFFF086;
	s6 =	sadd.s32 @!p0 s3, s7;
	s7 =	simm.s32 @!p0 $0x108  }
0x21: {  	s3 =	sadd.s32 s3, s9;
	s6 =	sadd.s32 @!p0 $0x88, s6;
	s7 =	simm.s32 @p2 $0x1082  }
0x22: {  	[simem:s7], [sflag:s8] =	dma.local @!p0 [hbm:s6], $0xF7A  }
0x23: {  	s9 =	sor.u32 $0xD0000000, s2;
	s6 =	simm.s32 $0x108;
	_ =	swait.ge @!p0 [sflag:s8], $0x0  }
0x24: {  	s3 =	sadd.s32 $0x88, s3;
	s6 =	simm.s32 @!p1 $0x1082;
	[sflag:s4] =	ssyncset.s32 $0xFFFFF086  }
0x25: {  	[simem:s6], [sflag:s4] =	dma.local [hbm:s3], $0xF7A  }
0x26: {  	[smem:$0x3F91] =	sst s1;
	(tag) =	ssettag s2;
	_ =	strace s9  }
0x27: {  	s1 =	sld [smem:$0x3FA1]  }
0x28: {  	s2 =	sld [smem:$0x3FA2]  }
0x29: {  	s4 =	sld [smem:$0x3FA4]  }
0x2a: {  	p0 =	seq.s32 s5, $0x0;
	s5 =	sld [smem:$0x3FA5]  }
0x2b: {  	s6 =	sld [smem:$0x3FA6]  }
0x2c: {  	s7 =	sld [smem:$0x3FA7]  }
0x2d: {  	s3 =	simm.s32 $0x108;
	s8 =	sld [smem:$0x3FA8]  }
0x2e: {  	s3 =	simm.s32 @!p0 $0x1082;
	s9 =	sld [smem:$0x3FA9]  }
0x2f: {  	lr =	sadd.s32 s0, s3;
	s0 =	sld [smem:$0x3FA0]  }
0x30: {  	s3 =	sld [smem:$0x3FA3]  }
0x31: {  	[smem:$0x3FAC] =	sst s10  }
0x32: {  	s10 =	sld [smem:$0x3FAA];
	_ =	sdelay $0x3  }
0x33: {  	p0 =	seq.s32 s10, $0x1;
	s10 =	sld [smem:$0x3FAC];
	_ =	sdelay $0x3  }
0x34: {  	[smem:$0x3FAC] =	sst s10  }
0x35: {  	s10 =	sld [smem:$0x3FAB];
	_ =	sdelay $0x3  }
0x36: {  	p1 =	seq.s32 s10, $0x1;
	s10 =	sld [smem:$0x3FAC];
	_ =	sdelay $0x3  }
0x37: {  	[smem:$0x3FAC] =	sst s10  }
0x38: {  	s10 =	sld [smem:$0x3FAD]  }
0x39: {  	_ = 	snop;
	(pc) =	sbr.ind lr, $3  }
0x3a: {  	_ = 	snop  }
0x3b: {  	_ = 	snop  }
0x3c: {  	p2 =	seq.s32 s10, $0x1;
	s10 =	sld [smem:$0x3FAC]  }
0x3d: {  	_ =	shalt  }
0x3e: {  	_ =	shalt  }
0x3f: {  	_ =	shalt  }
0x40: {  	_ =	shalt  }
0x41: {  	_ =	shalt  }
0x42: {  	_ =	shalt  }
0x43: {  	_ =	shalt  }
0x44: {  	_ =	shalt  }
0x45: {  	_ =	shalt  }
0x46: {  	_ =	shalt  }
0x47: {  	_ =	shalt  }
0x48: {  	_ =	shalt  }
0x49: {  	_ =	shalt  }
0x4a: {  	_ =	shalt  }
0x4b: {  	_ =	shalt  }
0x4c: {  	_ =	shalt  }
0x4d: {  	_ =	shalt  }
0x4e: {  	_ =	shalt  }
0x4f: {  	_ =	shalt  }
0x50: {  	_ =	shalt  }
0x51: {  	_ =	shalt  }
0x52: {  	_ =	shalt  }
0x53: {  	_ =	shalt  }
0x54: {  	_ =	shalt  }
0x55: {  	_ =	shalt  }
0x56: {  	_ =	shalt  }
0x57: {  	_ =	shalt  }
0x58: {  	_ =	shalt  }
0x59: {  	_ =	shalt  }
0x5a: {  	_ =	shalt  }
0x5b: {  	_ =	shalt  }
0x5c: {  	_ =	shalt  }
0x5d: {  	_ =	shalt  }
0x5e: {  	_ =	shalt  }
0x5f: {  	_ =	shalt  }
0x60: {  	_ =	shalt  }
0x61: {  	_ =	shalt  }
0x62: {  	_ =	shalt  }
0x63: {  	_ =	shalt  }
0x64: {  	_ =	shalt  }
0x65: {  	_ =	shalt  }
0x66: {  	_ =	shalt  }
0x67: {  	_ =	shalt  }
0x68: {  	_ =	shalt  }
0x69: {  	_ =	shalt  }
0x6a: {  	_ =	shalt  }
0x6b: {  	_ =	shalt  }
0x6c: {  	_ =	shalt  }
0x6d: {  	_ =	shalt  }
0x6e: {  	_ =	shalt  }
0x6f: {  	_ =	shalt  }
0x70: {  	_ =	shalt  }
0x71: {  	_ =	shalt  }
0x72: {  	_ =	shalt  }
0x73: {  	_ =	shalt  }
0x74: {  	_ =	shalt  }
0x75: {  	_ =	shalt  }
0x76: {  	_ =	shalt  }
0x77: {  	_ =	shalt  }
0x78: {  	_ =	shalt  }
0x79: {  	_ =	shalt  }
0x7a: {  	_ =	shalt  }
0x7b: {  	_ =	shalt  }
0x7c: {  	_ =	shalt  }
0x7d: {  	_ =	shalt  }
0x7e: {  	_ =	shalt  }
0x7f: {  	_ =	shalt  }
0x80: {  	_ =	shalt  }
0x81: {  	_ =	shalt  }
0x82: {  	_ =	shalt  }
0x83: {  	_ =	shalt  }
0x84: {  	_ =	shalt  }
0x85: {  	_ =	shalt  }
0x86: {  	_ =	shalt  }
0x87: {  	_ =	shalt  }
.Lfunc_end0:
.L_simem_size_0:
called_computation_lowered:
.L_overlay_start_0:
0x88: {  	s2 =	sld [smem:$0x3FD9]  }
0x89: {  	s3 =	sld [smem:$0x3FFE];
	_ =	sdelay $0x1  }
0x8a: {  	s1 =	srdreg.scid  }
0x8b: {  	s0 =	sand.u32 $0x1, s1  }
0x8c: {  	s16 =	sshll.u32 s0, $0xA;
	s2 =	sadd.s32 s3, s2  }
0x8d: {  	s2 =	sadd.s32 s2, s16  }
0x8e: {  	[smem:$0x3FB8] =	sst s2  }
0x8f: {  	_ = 	snop  }
0x90: {  	(tm) =	ssettm $0x1  }
0x91: {  	s17 =	sld [smem:$0x3FFB];
	_ =	sdelay $0x3  }
0x92: {  	_ =	strace s17  }
0x93: {  	s2 =	sld [smem:$0x3FFC];
	_ =	sdelay $0x3  }
0x94: {  	_ =	strace s2  }
0x95: {  	s2 =	sld [smem:$0x3FFD];
	_ =	sdelay $0x3  }
0x96: {  	_ =	strace s2  }
0x97: {  	_ =	strace $0x8FFFFFFF  }
0x98: {  	s18 =	sld [smem:$0x3FDB];
	_ =	sdelay $0x1  }
0x99: {  	s19 =	simm.s32 $_scs_section_size  }
0x9a: {  	s4 =	simm.s32 $_size__tile_overlayer_lowered;
	s5 =	simm.s32 $_tile_overlayer_lowered  }
0x9b: {  	s22 =	simm.s32 $0x1BFF;
	s21 =	sshll.u32 s5, $0x1;
	s2 =	sadd.s32 s19, s18  }
0x9c: {  	s6 =	simm.s32 $0x0;
	s20 =	sshll.u32 s4, $0x1;
	s4 =	sadd.s32 s21, s2  }
0x9d: {  	[timem:s6], [sflag:s22] =	dma.local [hbm:s4], s20  }
0x9e: {  	_ =	swait.ge [sflag:s22], s20  }
0x9f: {  	s3 =	ssub.s32 $0x0, s20;
	[sflag:s22] =	ssyncset.done $0x0  }
0xa0: {  	[sflag:s22] =	ssyncadd.s32 s3;
	_ =	sdelay $0x1  }
0xa1: {  	s23 =	simm.s32 $0x1B8B  }
0xa2: {  	_ =	swait.ge [sflag:s23], $0x1  }
0xa3: {  	[sflag:s23] =	ssyncset.done $0x0  }
0xa4: {  	s25 =	simm.s32 $0x1B8E;
	s24 =	sld [smem:$0x3FFE];
	[sflag:s23] =	ssyncadd.s32 $0xFFFFFFFF  }
0xa5: {  	s26 =	simm.s32 $execute0_lowered;
	[smem:$0x3FD2] =	sst s25  }
0xa6: {  	s4 =	sshll.u32 s26, $0x1;
	_ =	strace $0x80000046;
	[dreg:$0x1] =	wrdreg $0xFFFFFFFF  }
0xa7: {  	s28 =	simm.s32 $_size_execute0_lowered;
	s2 =	sadd.s32 s2, s4;
	[dreg:$0x0] =	wrdreg $0x0  }
0xa8: {  	s4 =	sshll.u32 s28, $0x1;
	[dreg:$0x2] =	wrdreg s2  }
0xa9: {  	[dreg:$0x3] =	wrdreg s4  }
0xaa: {  	[dreg:$0x4] =	wrdreg $0xC0  }
0xab: {  	_ =	task [dreg:s6], $0x5FFFF  }
0xac: {  	[dreg:$0x1] =	wrdreg $0xFFFFFFFF  }
0xad: {  	[dreg:$0x0] =	wrdreg $0x60  }
0xae: {  	[dreg:$0x2] =	wrdreg s24  }
0xaf: {  	[dreg:$0x3] =	wrdreg $0x0  }
0xb0: {  	[dreg:$0x4] =	wrdreg $0x27800  }
0xb1: {  	[dreg:$0x5] =	wrdreg $0x9  }
0xb2: {  	_ =	task.clear_ibuf [dreg:s6], $0x6FFFF;
	_ =	strace $0x90000046  }
0xb3: {  	s29 =	simm.s32 $0x9;
	_ =	strace $0x80000048  }
0xb4: {  	_ =	swait.ge [sflag:s29], $0x1  }
0xb5: {  	[sflag:s29] =	ssyncadd.s32 $0xFFFFFFFF  }
0xb6: {  	_ =	strace $0x90000048  }
0xb7: {  	_ =	sfence  }
0xb8: {  	s30 =	sld [smem:$0x0];
	_ =	sdelay $0x2  }
0xb9: {  	s31 =	sshll.u32 s1, $0xD;
	s1 =	sshrl.u32 s1, $0x2  }
0xba: {  	s3 =	sand.u32 $0x4000, s31;
	s1 =	sadd.s32 s1, s30  }
0xbb: {  	s0 =	sor.u32 s3, s0;
	s1 =	sshll.u32 s1, $0x11  }
0xbc: {  	s0 =	sor.u32 s1, s0  }
0xbd: {  	s0 =	sadd.s32 $0x8F2B, s0  }
0xbe: {  	[sflag:s0] =	ssyncadd.remote.s32 $0x1  }
0xbf: {  	_ =	sfence.sel $0xFFFF  }
0xc0: {  	[dreg:$0x0] =	wrdreg $0xFFFFFFFF;
	(pc) =	sbr.abs _section_cstart, $3  }
0xc1: {  	[dreg:$0x1] =	wrdreg $0xFFFFFFFF  }
0xc2: {  	_ =	task.clear_ibuf [dreg:s6], $0x2FFFF;
	_ =	strace $0x9FFFFFFF  }
0xc3: {  	(tm) =	ssettm $0x7FFFFFFF  }
tec
execute0_lowered:
.L_overlay_start_1:
0x0: {  	(tag) =	ssettag $0x1  }
0x1: {  	s5 =	rddreg [dreg:$0x0]  }
0x2: {  	s2 =	rddreg [dreg:$0x1];
	s1 =	srdreg.scid  }
0x3: {  	s0 =	stileid.u32;
	s3 =	rddreg [dreg:$0x2];
	s4 =	simm.s32 $0x0  }
0x4: {  	s17 =	simm.s32 $0x4F00;
	s18 =	simm.s32 $0x2;
	s19 =	simm.s32 $0x9E00  }
0x5: {  	s20 =	simm.s32 $0xF500;
	s21 =	simm.s32 $0x80;
	s22 =	simm.s32 $0xC580  }
0x6: {  	s23 =	simm.s32 $0x14400;
	s25 =	simm.s32 $0x11C80;
	s7 =	smul.u32 $0x278, s0  }
0x7: {  	s26 =	simm.s32 $0x0;
	s6 =	sand.u32 $0x1, s1;
	s11 =	smul.u32 $0x2780, s0  }
0x8: {  	[smem:$0x7FF] =	sst s4;
	s24 =	smul.u32 $0x2780, s6;
	s8 =	sshll.u32 s6, $0x4  }
0x9: {  	s9 =	smul.u32 $0x9E000, s6;
	_ =	strace $0x80000047;
	s6 =	ssub.s32 $0x2, s6  }
0xa: {  	s8 =	sor.u32 s0, s8;
	s31 =	sshrl.u32 s6, $0x1;
	s7 =	sadd.s32 s7, s24  }
0xb: {  	s29 =	smul.u32 $0x4F0, s8;
	s30 =	sadd.s32 s11, s9;
	s16 =	ssub.s32 s6, s31  }
0xc: {  	v0 =	vmov s24;
	s24 =	simm.s32 $0x1;
	s10 =	sshll.u32 s7, $0x1;
	s8 =	sshrl.u32 s30, $0x3  }
0xd: {  	s16 =	smax.u32 s16, $0x1;
	s12 =	sadd.s32 s10, s5;
	s7 =	sadd.s32 s29, s5  }
0xe: {  	s15 =	sadd.s32 s8, s5;
	s5 =	sadd.s32 $0x1F800, s5;
	s8 =	sadd.s32 s11, s2  }
0xf: {  	s11 =	sadd.s32 s11, s3;
	s6 =	sadd.s32 $0xBC00, s7;
	s7 =	sadd.s32 $0x1E00, s7  }
0x10: {  	s9 =	sadd.s32 $0x15A00, s12;
	s10 =	sadd.s32 s5, s10;
	s12 =	sadd.s32 $0x29600, s15  }
0x11: {  	v1 =	vimm.f32 $0.0e+00;
	v2 =	vimm.f32 $1.000000000e+00;
	s13 =	sadd.s32 $0x2E500, s15;
	s14 =	sadd.s32 $0x33400, s15;
	s15 =	sadd.s32 $0x38300, s15  }
.LBB2_1:
0x12: {  	[tilespmem:s17], [sflag:$0x2] =	stream.linear.gather [hbm4b:s6+s4], $0x2780, $0x38;
	[tilespmem:$0x16B80] =	vst v63  }
0x13: {  	_ =	swait.ge [sflag:s18], $0x2780  }
0x14: {  	[sflag:s18] =	ssyncset.done $0x0  }
0x15: {  	[sflag:s18] =	ssyncadd.s32 $0xFFFFD880  }
0x16: {  	[tilespmem:s19], [sflag:$0x2] =	stream.linear.gather [hbm4b:s7+s4], $0x2780, $0x38;
	[tilespmem:$0x16B80] =	vst v63  }
0x17: {  	_ =	swait.ge [sflag:s18], $0x2780  }
0x18: {  	[sflag:s18] =	ssyncset.done $0x0  }
0x19: {  	s29 =	simm.s32 $0x0;
	[sflag:s18] =	ssyncadd.s32 $0xFFFFD880  }
0x1a: {  	v4 =	vld [tilespmem:s29+$0x4F70]  }
0x1b: {  	v7 =	vld [tilespmem:s29+$0x4F00]  }
0x1c: {  	v8 =	vld [tilespmem:s29+$0x4F10]  }
0x1d: {  	v6 =	vld [tilespmem:s29+$0x4F20]  }
0x1e: {  	v5 =	vld [tilespmem:s29+$0x4F30]  }
0x1f: {  	v3 =	vld [tilespmem:s29+$0x4F40];
	v9 =	vadd.s32 v0, v4  }
0x20: {  	v4 =	vld [tilespmem:s29+$0x4F50];
	v7 =	vadd.s32 v0, v7;
	[tilespmem:s29+$0x76F0] =	vst v9  }
0x21: {  	s28 =	simm.s32 $0x80;
	s30 =	simm.s32 $0x400;
	v8 =	vadd.s32 v0, v8;
	[tilespmem:s29+$0x7680] =	vst v7;
	v7 =	vld [tilespmem:s29+$0x4F60]  }
.LBB2_2:
0x22: {  	p0 =	sne.s32 s30, $0x9C00;
	v9 =	vld [tilespmem:s28+$0x4F70];
	[tilespmem:s29+$0x7690] =	vst v8;
	v6 =	vadd.s32 v0, v6  }
0x23: {  	v8 =	vld [tilespmem:s28+$0x4F00];
	[tilespmem:s29+$0x76A0] =	vst v6;
	v5 =	vadd.s32 v0, v5  }
0x24: {  	v10 =	vld [tilespmem:s28+$0x4F10];
	[tilespmem:s29+$0x76B0] =	vst v5;
	v3 =	vadd.s32 v0, v3  }
.Ltmp0:
0x25: {  	v6 =	vld [tilespmem:s28+$0x4F20];
	[tilespmem:s29+$0x76C0] =	vst v3;
	v3 =	vadd.s32 v0, v4;
	(pc) =	sbr.rel @p0 .LBB2_2-.Ltmp0, $4  }
0x26: {  	v5 =	vld [tilespmem:s28+$0x4F30];
	[tilespmem:s29+$0x76D0] =	vst v3;
	v4 =	vadd.s32 v0, v7  }
0x27: {  	v3 =	vld [tilespmem:s28+$0x4F40];
	v7 =	vadd.s32 v0, v9;
	[tilespmem:s29+$0x76E0] =	vst v4;
	s29 =	smov.u32 s28  }
0x28: {  	v8 =	vadd.s32 v0, v8;
	v4 =	vld [tilespmem:s29+$0x4F50];
	[tilespmem:s29+$0x76F0] =	vst v7  }
0x29: {  	s28 =	sshra.s32 s30, $0x2;
	s30 =	sadd.s32 $0x200, s30;
	[tilespmem:s29+$0x7680] =	vst v8;
	v8 =	vadd.s32 v0, v10;
	v7 =	vld [tilespmem:s29+$0x4F60]  }
0x2a: {  	v9 =	vld [tilespmem:s28+$0x4F70];
	[tilespmem:s29+$0x7690] =	vst v8;
	v6 =	vadd.s32 v0, v6  }
0x2b: {  	v8 =	vld [tilespmem:s28+$0x4F00];
	[tilespmem:s29+$0x76A0] =	vst v6;
	v5 =	vadd.s32 v0, v5  }
0x2c: {  	v6 =	vld [tilespmem:s28+$0x4F10];
	[tilespmem:s29+$0x76B0] =	vst v5;
	v3 =	vadd.s32 v0, v3  }
0x2d: {  	v5 =	vld [tilespmem:s28+$0x4F20];
	[tilespmem:s29+$0x76C0] =	vst v3;
	v3 =	vadd.s32 v0, v4  }
0x2e: {  	v60 =	vld [tilespmem:s28+$0x4F30];
	[tilespmem:s29+$0x76D0] =	vst v3;
	v3 =	vadd.s32 v0, v7  }
0x2f: {  	v61 =	vld [tilespmem:s28+$0x4F40];
	[tilespmem:s29+$0x76E0] =	vst v3;
	v3 =	vadd.s32 v0, v9  }
0x30: {  	v62 =	vld [tilespmem:s28+$0x4F50];
	v8 =	vadd.s32 v0, v8;
	[tilespmem:s28+$0x76F0] =	vst v3  }
0x31: {  	v63 =	vld [tilespmem:s28+$0x4F60];
	[tilespmem:s28+$0x7680] =	vst v8;
	v3 =	vadd.s32 v0, v6  }
0x32: {  	[tilespmem:s28+$0x7690] =	vst v3;
	v3 =	vadd.s32 v0, v5  }
0x33: {  	[tilespmem:s28+$0x76A0] =	vst v3;
	v3 =	vadd.s32 v0, v60  }
0x34: {  	[tilespmem:s28+$0x76B0] =	vst v3;
	v3 =	vadd.s32 v0, v61  }
0x35: {  	[tilespmem:s28+$0x76C0] =	vst v3;
	v3 =	vadd.s32 v0, v62  }
0x36: {  	[tilespmem:s28+$0x76D0] =	vst v3;
	v3 =	vadd.s32 v0, v63  }
0x37: {  	s29 =	simm.s32 $0x0;
	[tilespmem:s28+$0x76E0] =	vst v3;
	s28 =	simm.s32 $0x40  }
.LBB2_4:
0x38: {  	p0 =	sne.s32 s28, $0x9DC0;
	[tilespmem:s29+$0xF500] =	vst v1;
	s29 =	smov.u32 s28;
	s28 =	sadd.s32 $0x40, s28  }
.Ltmp1:
0x39: {  	(pc) =	sbr.rel @p0 .LBB2_4-.Ltmp1, $2  }
0x3a: {  	_ =	sdelay $0x2  }
0x3b: {  	s29 =	sshra.s32 s29, $0x2  }
0x3c: {  	[tilespmem:s29+$0xF500] =	vst v1  }
0x3d: {  	[spmem:s8] =	stream.linear.scatter [tilespmem:s20], [sflag:$0x2], $0x2780, $0x38;
	[tilespmem:$0x16B80] =	vst v63  }
0x3e: {  	_ =	swait.ge [sflag:s18], $0x2780  }
0x3f: {  	[sflag:s18] =	ssyncset.done $0x0  }
0x40: {  	s28 =	simm.s32 $0x40;
	s29 =	simm.s32 $0x0;
	[sflag:s18] =	ssyncadd.s32 $0xFFFFD880  }
.LBB2_6:
0x41: {  	p0 =	sne.s32 s28, $0x1FC0;
	[tilespmem:s29+$0xC580] =	vst v2;
	s29 =	smov.u32 s28;
	s28 =	sadd.s32 $0x40, s28  }
.Ltmp2:
0x42: {  	(pc) =	sbr.rel @p0 .LBB2_6-.Ltmp2, $2  }
0x43: {  	_ =	sdelay $0x2  }
0x44: {  	s29 =	sshra.s32 s29, $0x2  }
0x45: {  	[tilespmem:s29+$0xC580] =	vst v2  }
0x46: {  	s28 =	simm.s32 $0x4F00;
	[bflag:$0x0] =	sbarrier.arrive $0xFFFF  }
0x47: {  	[spmem:s2] =	stream.indirect.scatter.add.f32 [tilespmem:s22], [sflag:$0x2], $0x10, s28, s21, $0xb8;
	[tilespmem:$0x16B80] =	vst v63  }
0x48: {  	s28 =	simm.s32 $0x200;
	_ =	swait.ge [sflag:s18], $0x800  }
.LBB2_8:
0x49: {  	s29 =	sshra.s32 s28, $0x2;
	[sflag:s18] =	ssyncset.done $0x0;
	p0 =	sne.s32 s28, $0x9C00  }
.Ltmp3:
0x4a: {  	s29 =	sadd.s32 $0x4F00, s29;
	[sflag:s18] =	ssyncadd.s32 $0xFFFFF800;
	(pc) =	sbr.rel @p0 .LBB2_8-.Ltmp3, $3  }
0x4b: {  	[spmem:s2] =	stream.indirect.scatter.add.f32 [tilespmem:s22], [sflag:$0x2], $0x10, s29, s21, $0xb8;
	[tilespmem:$0x16B80] =	vst v63  }
0x4c: {  	s28 =	sadd.s32 $0x200, s28;
	_ =	sdelay $0x1  }
0x4d: {  	_ =	swait.ge [sflag:s18], $0x800  }
0x4e: {  	[sflag:s18] =	ssyncset.done $0x0  }
0x4f: {  	[sflag:s18] =	ssyncadd.s32 $0xFFFFF800  }
0x50: {  	[bflag:$0x0] =	sbarrier.arrive $0xFFFF  }
0x51: {  	[tilespmem:s20], [sflag:$0x2] =	stream.linear.gather [spmem:s8], $0x2780, $0x38;
	[tilespmem:$0x16B80] =	vst v63  }
0x52: {  	_ =	swait.ge [sflag:s18], $0x2780  }
0x53: {  	[sflag:s18] =	ssyncset.done $0x0  }
0x54: {  	s28 =	simm.s32 $0x0;
	[sflag:s18] =	ssyncadd.s32 $0xFFFFD880  }
0x55: {  	[tilespmem:s23], [sflag:$0x2] =	stream.linear.gather [hbm4b:s9+s28], $0x2780, $0x38;
	[tilespmem:$0x16B80] =	vst v63  }
0x56: {  	_ =	swait.ge [sflag:s18], $0x2780  }
0x57: {  	[sflag:s18] =	ssyncset.done $0x0  }
0x58: {  	s29 =	simm.s32 $0x40;
	s28 =	simm.s32 $0x0;
	[sflag:s18] =	ssyncadd.s32 $0xFFFFD880  }
.LBB2_10:
0x59: {  	p0 =	sne.s32 s29, $0x9DC0;
	v3 =	vld [tilespmem:s28+$0xF500];
	_ =	sdelay $0x4  }
0x5a: {  	v4 =	vmax.f32 v3, $1.000000000e+00  }
0x5b: {  	v5 =	vshra.s32 v4, $0x1;
	v4 =	vmul.f32 $5.000000000e-01, v4  }
0x5c: {  	v5 =	vsub.s32 $0x5F3759DF, v5  }
0x5d: {  	v6 =	vmul.f32 v5, v4;
	_ =	sdelay $0x1  }
0x5e: {  	v6 =	vmul.f32 v5, v6;
	_ =	sdelay $0x1  }
0x5f: {  	v6 =	vsub.f32 $1.500000000e+00, v6;
	_ =	sdelay $0x1  }
0x60: {  	v5 =	vmul.f32 v5, v6;
	_ =	sdelay $0x1  }
0x61: {  	v6 =	vmul.f32 v5, v4;
	_ =	sdelay $0x1  }
0x62: {  	v6 =	vmul.f32 v6, v5;
	_ =	sdelay $0x1  }
0x63: {  	v6 =	vsub.f32 $1.500000000e+00, v6;
	_ =	sdelay $0x1  }
0x64: {  	v5 =	vmul.f32 v6, v5;
	_ =	sdelay $0x1  }
0x65: {  	v4 =	vmul.f32 v5, v4;
	_ =	sdelay $0x1  }
0x66: {  	v4 =	vmul.f32 v4, v5;
	_ =	sdelay $0x1  }
0x67: {  	v4 =	vsub.f32 $1.500000000e+00, v4;
	v6 =	vld [tilespmem:s28+$0x14400];
	_ =	sdelay $0x1  }
0x68: {  	v4 =	vmul.f32 v4, v5  }
.Ltmp4:
0x69: {  	vm0 =	vge.f32 v3, $5.000000000e-01;
	(pc) =	sbr.rel @p0 .LBB2_10-.Ltmp4, $3  }
0x6a: {  	v3 =	vnsel vm0, $0x0, v4  }
0x6b: {  	[tilespmem:s28+$0xCD80] =	vst v3;
	v3 =	vmul.f32 v3, v6;
	_ =	sdelay $0x1  }
0x6c: {  	[tilespmem:s28+$0xF500] =	vst v3;
	s28 =	sshra.s32 s29, $0x2;
	s29 =	sadd.s32 $0x40, s29  }
0x6d: {  	v3 =	vld [tilespmem:s28+$0xF500];
	_ =	sdelay $0x4  }
0x6e: {  	v4 =	vmax.f32 v3, $1.000000000e+00  }
0x6f: {  	v5 =	vshra.s32 v4, $0x1;
	v4 =	vmul.f32 $5.000000000e-01, v4  }
0x70: {  	v5 =	vsub.s32 $0x5F3759DF, v5  }
0x71: {  	v6 =	vmul.f32 v5, v4;
	_ =	sdelay $0x1  }
0x72: {  	v6 =	vmul.f32 v5, v6;
	_ =	sdelay $0x1  }
0x73: {  	v6 =	vsub.f32 $1.500000000e+00, v6;
	_ =	sdelay $0x1  }
0x74: {  	v5 =	vmul.f32 v5, v6;
	_ =	sdelay $0x1  }
0x75: {  	v6 =	vmul.f32 v5, v4;
	_ =	sdelay $0x1  }
0x76: {  	v6 =	vmul.f32 v6, v5;
	_ =	sdelay $0x1  }
0x77: {  	v6 =	vsub.f32 $1.500000000e+00, v6;
	_ =	sdelay $0x1  }
0x78: {  	v5 =	vmul.f32 v6, v5;
	_ =	sdelay $0x1  }
0x79: {  	v4 =	vmul.f32 v5, v4;
	_ =	sdelay $0x1  }
0x7a: {  	v4 =	vmul.f32 v4, v5;
	_ =	sdelay $0x1  }
0x7b: {  	v63 =	vld [tilespmem:s28+$0x14400];
	v4 =	vsub.f32 $1.500000000e+00, v4;
	_ =	sdelay $0x1  }
0x7c: {  	v4 =	vmul.f32 v4, v5  }
0x7d: {  	vm0 =	vge.f32 v3, $5.000000000e-01  }
0x7e: {  	v3 =	vnsel vm0, $0x0, v4  }
0x7f: {  	v4 =	vmul.f32 v3, v63  }
0x80: {  	[tilespmem:s28+$0xCD80] =	vst v3  }
0x81: {  	[tilespmem:s28+$0xF500] =	vst v4;
	s28 =	simm.s32 $0x0  }
0x82: {  	[hbm4b:s10+s28] =	stream.linear.scatter [tilespmem:s20], [sflag:$0x2], $0x2780, $0x38;
	[tilespmem:$0x16B80] =	vst v63  }
0x83: {  	_ =	swait.ge [sflag:s18], $0x2780  }
0x84: {  	[sflag:s18] =	ssyncset.done $0x0  }
0x85: {  	[sflag:s18] =	ssyncadd.s32 $0xFFFFD880  }
0x86: {  	s29 =	simm.s32 $0x0;
	s28 =	simm.s32 $0x40;
	[bflag:$0x0] =	sbarrier.arrive $0xFFFF  }
.LBB2_12:
0x87: {  	p0 =	sne.s32 s28, $0x9DC0;
	[tilespmem:s29+$0xF500] =	vst v1;
	s29 =	smov.u32 s28;
	s28 =	sadd.s32 $0x40, s28  }
.Ltmp5:
0x88: {  	(pc) =	sbr.rel @p0 .LBB2_12-.Ltmp5, $2  }
0x89: {  	_ =	sdelay $0x2  }
0x8a: {  	s29 =	sshra.s32 s29, $0x2  }
0x8b: {  	[tilespmem:s29+$0xF500] =	vst v1  }
0x8c: {  	[spmem:s11] =	stream.linear.scatter [tilespmem:s20], [sflag:$0x2], $0x2780, $0x38;
	[tilespmem:$0x16B80] =	vst v63  }
0x8d: {  	_ =	swait.ge [sflag:s18], $0x2780  }
0x8e: {  	[sflag:s18] =	ssyncset.done $0x0  }
0x8f: {  	[sflag:s18] =	ssyncadd.s32 $0xFFFFD880  }
0x90: {  	s28 =	simm.s32 $0x7680;
	[bflag:$0x0] =	sbarrier.arrive $0xFFFF  }
0x91: {  	[tilespmem:s22], [sflag:$0x1] =	stream.indirect.gather [hbm4b:s5+s21], $0x10, s28, s21, $0xb8;
	[tilespmem:$0x16B80] =	vst v63  }
0x92: {  	_ =	swait.ge [sflag:s24], $0x800  }
0x93: {  	[sflag:s24] =	ssyncset.done $0x0  }
0x94: {  	s28 =	simm.s32 $0x9E00;
	[sflag:s24] =	ssyncadd.s32 $0xFFFFF800  }
0x95: {  	[spmem:s3] =	stream.indirect.scatter.add.f32 [tilespmem:s22], [sflag:$0x2], $0x10, s28, s21, $0xb8;
	[tilespmem:$0x16B80] =	vst v63  }
0x96: {  	_ =	swait.ge [sflag:s18], $0x800  }
0x97: {  	s29 =	simm.s32 $0x400;
	s28 =	simm.s32 $0x80;
	[sflag:s18] =	ssyncset.done $0x0  }
.LBB2_14:
0x98: {  	s30 =	sadd.s32 $0x7680, s28  }
0x99: {  	[sflag:s18] =	ssyncadd.s32 $0xFFFFF800;
	s31 =	smov.u32 s29;
	s1 =	sadd.s32 $0x200, s29  }
0x9a: {  	[tilespmem:s22], [sflag:$0x1] =	stream.indirect.gather [hbm4b:s5+s21], $0x10, s30, s21, $0xb8;
	[tilespmem:$0x16B80] =	vst v63  }
0x9b: {  	p0 =	sne.s32 s29, $0x9C00;
	_ =	swait.ge [sflag:s24], $0x800  }
.Ltmp6:
0x9c: {  	[sflag:s24] =	ssyncset.done $0x0;
	(pc) =	sbr.rel @p0 .LBB2_14-.Ltmp6, $4  }
0x9d: {  	s28 =	sadd.s32 $0x9E00, s28;
	[sflag:s24] =	ssyncadd.s32 $0xFFFFF800  }
0x9e: {  	[spmem:s3] =	stream.indirect.scatter.add.f32 [tilespmem:s22], [sflag:$0x2], $0x10, s28, s21, $0xb8;
	[tilespmem:$0x16B80] =	vst v63  }
0x9f: {  	_ =	swait.ge [sflag:s18], $0x800  }
0xa0: {  	s29 =	smov.u32 s1;
	s28 =	sshra.s32 s31, $0x2;
	[sflag:s18] =	ssyncset.done $0x0  }
0xa1: {  	s1 =	sadd.s32 $0x7680, s28;
	[sflag:s18] =	ssyncadd.s32 $0xFFFFF800  }
0xa2: {  	[tilespmem:s22], [sflag:$0x1] =	stream.indirect.gather [hbm4b:s5+s21], $0x10, s1, s21, $0xb8;
	[tilespmem:$0x16B80] =	vst v63  }
0xa3: {  	_ =	swait.ge [sflag:s24], $0x800  }
0xa4: {  	[sflag:s24] =	ssyncset.done $0x0  }
0xa5: {  	s31 =	sadd.s32 $0x9E00, s28;
	[sflag:s24] =	ssyncadd.s32 $0xFFFFF800  }
0xa6: {  	[spmem:s3] =	stream.indirect.scatter.add.f32 [tilespmem:s22], [sflag:$0x2], $0x10, s31, s21, $0xb8;
	[tilespmem:$0x16B80] =	vst v63  }
0xa7: {  	_ =	swait.ge [sflag:s18], $0x800  }
0xa8: {  	[sflag:s18] =	ssyncset.done $0x0  }
0xa9: {  	[sflag:s18] =	ssyncadd.s32 $0xFFFFF800  }
0xaa: {  	[bflag:$0x0] =	sbarrier.arrive $0xFFFF  }
0xab: {  	[tilespmem:s20], [sflag:$0x2] =	stream.linear.gather [spmem:s11], $0x2780, $0x38;
	[tilespmem:$0x16B80] =	vst v63  }
0xac: {  	_ =	swait.ge [sflag:s18], $0x2780  }
0xad: {  	[sflag:s18] =	ssyncset.done $0x0  }
0xae: {  	s28 =	simm.s32 $0x0;
	[sflag:s18] =	ssyncadd.s32 $0xFFFFD880  }
0xaf: {  	s29 =	simm.s32 $0x40;
	v3 =	vld [tilespmem:s28+$0xCD80]  }
.LBB2_16:
0xb0: {  	p0 =	sne.s32 s29, $0x9DC0;
	v4 =	vld [tilespmem:s28+$0xF500];
	_ =	sdelay $0x4  }
0xb1: {  	v4 =	vmul.f32 v4, v3;
	_ =	sdelay $0x1  }
.Ltmp7:
0xb2: {  	v4 =	vsub.f32 $0.0e+00, v4;
	(pc) =	sbr.rel @p0 .LBB2_16-.Ltmp7, $4  }
0xb3: {  	_ = 	snop  }
0xb4: {  	[tilespmem:s28+$0x11C80] =	vst v4;
	v4 =	vmul.f32 v4, v3  }
0xb5: {  	s1 =	sshra.s32 s29, $0x2  }
0xb6: {  	s29 =	sadd.s32 $0x40, s29;
	v3 =	vld [tilespmem:s1+$0xCD80];
	[tilespmem:s28+$0xF500] =	vst v4;
	s28 =	smov.u32 s1  }
0xb7: {  	v4 =	vld [tilespmem:s28+$0xF500];
	_ =	sdelay $0x4  }
0xb8: {  	v4 =	vmul.f32 v4, v3;
	_ =	sdelay $0x1  }
0xb9: {  	v4 =	vsub.f32 $0.0e+00, v4;
	_ =	sdelay $0x1  }
0xba: {  	v3 =	vmul.f32 v4, v3  }
0xbb: {  	[tilespmem:s28+$0x11C80] =	vst v4  }
0xbc: {  	s1 =	simm.s32 $0x0;
	[tilespmem:s28+$0xF500] =	vst v3  }
0xbd: {  	[hbm4b:s12+s1] =	stream.linear.scatter [tilespmem:s25], [sflag:$0x2], $0x2780, $0x38;
	[tilespmem:$0x16B80] =	vst v63  }
0xbe: {  	_ =	swait.ge [sflag:s18], $0x2780  }
0xbf: {  	[sflag:s18] =	ssyncset.done $0x0  }
0xc0: {  	[sflag:s18] =	ssyncadd.s32 $0xFFFFD880  }
0xc1: {  	[hbm4b:s10+s1] =	stream.linear.scatter [tilespmem:s20], [sflag:$0x2], $0x2780, $0x38;
	[tilespmem:$0x16B80] =	vst v63  }
0xc2: {  	_ =	swait.ge [sflag:s18], $0x2780  }
0xc3: {  	[sflag:s18] =	ssyncset.done $0x0  }
0xc4: {  	[sflag:s18] =	ssyncadd.s32 $0xFFFFD880  }
0xc5: {  	s29 =	simm.s32 $0x0;
	s28 =	simm.s32 $0x40;
	[bflag:$0x0] =	sbarrier.arrive $0xFFFF  }
.LBB2_18:
0xc6: {  	p0 =	sne.s32 s28, $0x9DC0;
	[tilespmem:s29+$0xF500] =	vst v1;
	s1 =	smov.u32 s28;
	s28 =	sadd.s32 $0x40, s28  }
.Ltmp8:
0xc7: {  	(pc) =	sbr.rel @p0 .LBB2_18-.Ltmp8, $2  }
0xc8: {  	_ =	sdelay $0x2  }
0xc9: {  	s29 =	sshra.s32 s1, $0x2  }
0xca: {  	[tilespmem:s29+$0xF500] =	vst v1  }
0xcb: {  	[spmem:s11] =	stream.linear.scatter [tilespmem:s20], [sflag:$0x2], $0x2780, $0x38;
	[tilespmem:$0x16B80] =	vst v63  }
0xcc: {  	_ =	swait.ge [sflag:s18], $0x2780  }
0xcd: {  	[sflag:s18] =	ssyncset.done $0x0  }
0xce: {  	[sflag:s18] =	ssyncadd.s32 $0xFFFFD880  }
0xcf: {  	s1 =	simm.s32 $0x7680;
	[bflag:$0x0] =	sbarrier.arrive $0xFFFF  }
0xd0: {  	[tilespmem:s22], [sflag:$0x1] =	stream.indirect.gather [hbm4b:s5+s21], $0x10, s1, s21, $0xb8;
	[tilespmem:$0x16B80] =	vst v63  }
0xd1: {  	_ =	swait.ge [sflag:s24], $0x800  }
0xd2: {  	[sflag:s24] =	ssyncset.done $0x0  }
0xd3: {  	s31 =	simm.s32 $0x9E00;
	[sflag:s24] =	ssyncadd.s32 $0xFFFFF800  }
0xd4: {  	[spmem:s3] =	stream.indirect.scatter.add.f32 [tilespmem:s22], [sflag:$0x2], $0x10, s31, s21, $0xb8;
	[tilespmem:$0x16B80] =	vst v63  }
0xd5: {  	_ =	swait.ge [sflag:s18], $0x800  }
0xd6: {  	s29 =	simm.s32 $0x400;
	s28 =	simm.s32 $0x80;
	[sflag:s18] =	ssyncset.done $0x0  }
.LBB2_20:
0xd7: {  	s1 =	sadd.s32 $0x7680, s28  }
0xd8: {  	[sflag:s18] =	ssyncadd.s32 $0xFFFFF800;
	s30 =	smov.u32 s29;
	s31 =	sadd.s32 $0x200, s29  }
0xd9: {  	[tilespmem:s22], [sflag:$0x1] =	stream.indirect.gather [hbm4b:s5+s21], $0x10, s1, s21, $0xb8;
	[tilespmem:$0x16B80] =	vst v63  }
0xda: {  	p0 =	sne.s32 s29, $0x9C00;
	_ =	swait.ge [sflag:s24], $0x800  }
.Ltmp9:
0xdb: {  	[sflag:s24] =	ssyncset.done $0x0;
	(pc) =	sbr.rel @p0 .LBB2_20-.Ltmp9, $4  }
0xdc: {  	s1 =	sadd.s32 $0x9E00, s28;
	[sflag:s24] =	ssyncadd.s32 $0xFFFFF800  }
0xdd: {  	[spmem:s3] =	stream.indirect.scatter.add.f32 [tilespmem:s22], [sflag:$0x2], $0x10, s1, s21, $0xb8;
	[tilespmem:$0x16B80] =	vst v63  }
0xde: {  	_ =	swait.ge [sflag:s18], $0x800  }
0xdf: {  	s28 =	sshra.s32 s30, $0x2;
	s29 =	smov.u32 s31;
	[sflag:s18] =	ssyncset.done $0x0  }
0xe0: {  	s1 =	sadd.s32 $0x7680, s28;
	[sflag:s18] =	ssyncadd.s32 $0xFFFFF800  }
0xe1: {  	[tilespmem:s22], [sflag:$0x1] =	stream.indirect.gather [hbm4b:s5+s21], $0x10, s1, s21, $0xb8;
	[tilespmem:$0x16B80] =	vst v63  }
0xe2: {  	_ =	swait.ge [sflag:s24], $0x800  }
0xe3: {  	[sflag:s24] =	ssyncset.done $0x0  }
0xe4: {  	s31 =	sadd.s32 $0x9E00, s28;
	[sflag:s24] =	ssyncadd.s32 $0xFFFFF800  }
0xe5: {  	[spmem:s3] =	stream.indirect.scatter.add.f32 [tilespmem:s22], [sflag:$0x2], $0x10, s31, s21, $0xb8;
	[tilespmem:$0x16B80] =	vst v63  }
0xe6: {  	_ =	swait.ge [sflag:s18], $0x800  }
0xe7: {  	[sflag:s18] =	ssyncset.done $0x0  }
0xe8: {  	[sflag:s18] =	ssyncadd.s32 $0xFFFFF800  }
0xe9: {  	[bflag:$0x0] =	sbarrier.arrive $0xFFFF  }
0xea: {  	[tilespmem:s20], [sflag:$0x2] =	stream.linear.gather [spmem:s11], $0x2780, $0x38;
	[tilespmem:$0x16B80] =	vst v63  }
0xeb: {  	_ =	swait.ge [sflag:s18], $0x2780  }
0xec: {  	[sflag:s18] =	ssyncset.done $0x0  }
0xed: {  	s28 =	simm.s32 $0x0;
	[sflag:s18] =	ssyncadd.s32 $0xFFFFD880  }
0xee: {  	s29 =	simm.s32 $0x40;
	v3 =	vld [tilespmem:s28+$0xCD80]  }
.LBB2_22:
0xef: {  	p0 =	sne.s32 s29, $0x9DC0;
	v4 =	vld [tilespmem:s28+$0xF500];
	_ =	sdelay $0x4  }
0xf0: {  	v4 =	vmul.f32 v4, v3  }
0xf1: {  	v5 =	vld [tilespmem:s28+$0x14400]  }
0xf2: {  	v4 =	vsub.f32 $0.0e+00, v4;
	_ =	sdelay $0x1  }
0xf3: {  	v4 =	vadd.f32 v4, v4;
	_ =	sdelay $0x1  }
.Ltmp10:
0xf4: {  	v4 =	vsub.f32 v4, v5;
	(pc) =	sbr.rel @p0 .LBB2_22-.Ltmp10, $4  }
0xf5: {  	_ = 	snop  }
0xf6: {  	[tilespmem:s28+$0x14400] =	vst v4;
	v4 =	vmul.f32 v4, v3  }
0xf7: {  	s1 =	sshra.s32 s29, $0x2  }
0xf8: {  	s29 =	sadd.s32 $0x40, s29;
	v3 =	vld [tilespmem:s1+$0xCD80];
	[tilespmem:s28+$0xF500] =	vst v4;
	s28 =	smov.u32 s1  }
0xf9: {  	v4 =	vld [tilespmem:s28+$0xF500];
	_ =	sdelay $0x4  }
0xfa: {  	v4 =	vmul.f32 v4, v3  }
0xfb: {  	v5 =	vld [tilespmem:s28+$0x14400]  }
0xfc: {  	v4 =	vsub.f32 $0.0e+00, v4;
	_ =	sdelay $0x1  }
0xfd: {  	v4 =	vadd.f32 v4, v4;
	_ =	sdelay $0x1  }
0xfe: {  	v4 =	vsub.f32 v4, v5;
	_ =	sdelay $0x1  }
0xff: {  	v3 =	vmul.f32 v4, v3  }
0x100: {  	[tilespmem:s28+$0x14400] =	vst v4  }
0x101: {  	s1 =	simm.s32 $0x0;
	[tilespmem:s28+$0xF500] =	vst v3  }
0x102: {  	[hbm4b:s13+s1] =	stream.linear.scatter [tilespmem:s23], [sflag:$0x2], $0x2780, $0x38;
	[tilespmem:$0x16B80] =	vst v63  }
0x103: {  	_ =	swait.ge [sflag:s18], $0x2780  }
0x104: {  	[sflag:s18] =	ssyncset.done $0x0  }
0x105: {  	[sflag:s18] =	ssyncadd.s32 $0xFFFFD880  }
0x106: {  	[hbm4b:s10+s1] =	stream.linear.scatter [tilespmem:s20], [sflag:$0x2], $0x2780, $0x38;
	[tilespmem:$0x16B80] =	vst v63  }
0x107: {  	_ =	swait.ge [sflag:s18], $0x2780  }
0x108: {  	[sflag:s18] =	ssyncset.done $0x0  }
0x109: {  	[sflag:s18] =	ssyncadd.s32 $0xFFFFD880  }
0x10a: {  	s29 =	simm.s32 $0x0;
	s28 =	simm.s32 $0x40;
	[bflag:$0x0] =	sbarrier.arrive $0xFFFF  }
.LBB2_24:
0x10b: {  	p0 =	sne.s32 s28, $0x9DC0;
	[tilespmem:s29+$0xF500] =	vst v1;
	s1 =	smov.u32 s28;
	s28 =	sadd.s32 $0x40, s28  }
.Ltmp11:
0x10c: {  	(pc) =	sbr.rel @p0 .LBB2_24-.Ltmp11, $2  }
0x10d: {  	_ =	sdelay $0x2  }
0x10e: {  	s29 =	sshra.s32 s1, $0x2  }
0x10f: {  	[tilespmem:s29+$0xF500] =	vst v1  }
0x110: {  	[spmem:s11] =	stream.linear.scatter [tilespmem:s20], [sflag:$0x2], $0x2780, $0x38;
	[tilespmem:$0x16B80] =	vst v63  }
0x111: {  	_ =	swait.ge [sflag:s18], $0x2780  }
0x112: {  	[sflag:s18] =	ssyncset.done $0x0  }
0x113: {  	[sflag:s18] =	ssyncadd.s32 $0xFFFFD880  }
0x114: {  	s1 =	simm.s32 $0x7680;
	[bflag:$0x0] =	sbarrier.arrive $0xFFFF  }
0x115: {  	[tilespmem:s22], [sflag:$0x1] =	stream.indirect.gather [hbm4b:s5+s21], $0x10, s1, s21, $0xb8;
	[tilespmem:$0x16B80] =	vst v63  }
0x116: {  	_ =	swait.ge [sflag:s24], $0x800  }
0x117: {  	[sflag:s24] =	ssyncset.done $0x0  }
0x118: {  	s31 =	simm.s32 $0x9E00;
	[sflag:s24] =	ssyncadd.s32 $0xFFFFF800  }
0x119: {  	[spmem:s3] =	stream.indirect.scatter.add.f32 [tilespmem:s22], [sflag:$0x2], $0x10, s31, s21, $0xb8;
	[tilespmem:$0x16B80] =	vst v63  }
0x11a: {  	_ =	swait.ge [sflag:s18], $0x800  }
0x11b: {  	s29 =	simm.s32 $0x400;
	s28 =	simm.s32 $0x80;
	[sflag:s18] =	ssyncset.done $0x0  }
.LBB2_26:
0x11c: {  	s1 =	sadd.s32 $0x7680, s28  }
0x11d: {  	[sflag:s18] =	ssyncadd.s32 $0xFFFFF800;
	s30 =	smov.u32 s29;
	s31 =	sadd.s32 $0x200, s29  }
0x11e: {  	[tilespmem:s22], [sflag:$0x1] =	stream.indirect.gather [hbm4b:s5+s21], $0x10, s1, s21, $0xb8;
	[tilespmem:$0x16B80] =	vst v63  }
0x11f: {  	p0 =	sne.s32 s29, $0x9C00;
	_ =	swait.ge [sflag:s24], $0x800  }
.Ltmp12:
0x120: {  	[sflag:s24] =	ssyncset.done $0x0;
	(pc) =	sbr.rel @p0 .LBB2_26-.Ltmp12, $4  }
0x121: {  	s1 =	sadd.s32 $0x9E00, s28;
	[sflag:s24] =	ssyncadd.s32 $0xFFFFF800  }
0x122: {  	[spmem:s3] =	stream.indirect.scatter.add.f32 [tilespmem:s22], [sflag:$0x2], $0x10, s1, s21, $0xb8;
	[tilespmem:$0x16B80] =	vst v63  }
0x123: {  	_ =	swait.ge [sflag:s18], $0x800  }
0x124: {  	s28 =	sshra.s32 s30, $0x2;
	s29 =	smov.u32 s31;
	[sflag:s18] =	ssyncset.done $0x0  }
0x125: {  	s1 =	sadd.s32 $0x7680, s28;
	[sflag:s18] =	ssyncadd.s32 $0xFFFFF800  }
0x126: {  	[tilespmem:s22], [sflag:$0x1] =	stream.indirect.gather [hbm4b:s5+s21], $0x10, s1, s21, $0xb8;
	[tilespmem:$0x16B80] =	vst v63  }
0x127: {  	_ =	swait.ge [sflag:s24], $0x800  }
0x128: {  	[sflag:s24] =	ssyncset.done $0x0  }
0x129: {  	s31 =	sadd.s32 $0x9E00, s28;
	[sflag:s24] =	ssyncadd.s32 $0xFFFFF800  }
0x12a: {  	[spmem:s3] =	stream.indirect.scatter.add.f32 [tilespmem:s22], [sflag:$0x2], $0x10, s31, s21, $0xb8;
	[tilespmem:$0x16B80] =	vst v63  }
0x12b: {  	_ =	swait.ge [sflag:s18], $0x800  }
0x12c: {  	[sflag:s18] =	ssyncset.done $0x0  }
0x12d: {  	[sflag:s18] =	ssyncadd.s32 $0xFFFFF800  }
0x12e: {  	[bflag:$0x0] =	sbarrier.arrive $0xFFFF  }
0x12f: {  	[tilespmem:s20], [sflag:$0x2] =	stream.linear.gather [spmem:s11], $0x2780, $0x38;
	[tilespmem:$0x16B80] =	vst v63  }
0x130: {  	_ =	swait.ge [sflag:s18], $0x2780  }
0x131: {  	[sflag:s18] =	ssyncset.done $0x0  }
0x132: {  	s28 =	simm.s32 $0x0;
	[sflag:s18] =	ssyncadd.s32 $0xFFFFD880  }
0x133: {  	s29 =	simm.s32 $0x40;
	v3 =	vld [tilespmem:s28+$0xCD80]  }
.LBB2_28:
0x134: {  	p0 =	sne.s32 s29, $0x9DC0;
	v4 =	vld [tilespmem:s28+$0xF500];
	_ =	sdelay $0x4  }
0x135: {  	v4 =	vmul.f32 v4, v3  }
0x136: {  	v5 =	vld [tilespmem:s28+$0x11C80]  }
0x137: {  	v4 =	vsub.f32 $0.0e+00, v4;
	_ =	sdelay $0x1  }
0x138: {  	v4 =	vadd.f32 v4, v4;
	_ =	sdelay $0x1  }
.Ltmp13:
0x139: {  	v4 =	vsub.f32 v4, v5;
	(pc) =	sbr.rel @p0 .LBB2_28-.Ltmp13, $4  }
0x13a: {  	_ = 	snop  }
0x13b: {  	[tilespmem:s28+$0x11C80] =	vst v4;
	v4 =	vmul.f32 v4, v3  }
0x13c: {  	s1 =	sshra.s32 s29, $0x2  }
0x13d: {  	s29 =	sadd.s32 $0x40, s29;
	v3 =	vld [tilespmem:s1+$0xCD80];
	[tilespmem:s28+$0xF500] =	vst v4;
	s28 =	smov.u32 s1  }
0x13e: {  	v4 =	vld [tilespmem:s28+$0xF500];
	_ =	sdelay $0x4  }
0x13f: {  	v4 =	vmul.f32 v4, v3  }
0x140: {  	v5 =	vld [tilespmem:s28+$0x11C80]  }
0x141: {  	v4 =	vsub.f32 $0.0e+00, v4;
	_ =	sdelay $0x1  }
0x142: {  	v4 =	vadd.f32 v4, v4;
	_ =	sdelay $0x1  }
0x143: {  	v4 =	vsub.f32 v4, v5;
	_ =	sdelay $0x1  }
0x144: {  	v3 =	vmul.f32 v4, v3  }
0x145: {  	[tilespmem:s28+$0x11C80] =	vst v4  }
0x146: {  	s1 =	simm.s32 $0x0;
	[tilespmem:s28+$0xF500] =	vst v3  }
0x147: {  	[hbm4b:s14+s1] =	stream.linear.scatter [tilespmem:s25], [sflag:$0x2], $0x2780, $0x38;
	[tilespmem:$0x16B80] =	vst v63  }
0x148: {  	_ =	swait.ge [sflag:s18], $0x2780  }
0x149: {  	[sflag:s18] =	ssyncset.done $0x0  }
0x14a: {  	[sflag:s18] =	ssyncadd.s32 $0xFFFFD880  }
0x14b: {  	[hbm4b:s10+s1] =	stream.linear.scatter [tilespmem:s20], [sflag:$0x2], $0x2780, $0x38;
	[tilespmem:$0x16B80] =	vst v63  }
0x14c: {  	_ =	swait.ge [sflag:s18], $0x2780  }
0x14d: {  	[sflag:s18] =	ssyncset.done $0x0  }
0x14e: {  	[sflag:s18] =	ssyncadd.s32 $0xFFFFD880  }
0x14f: {  	s29 =	simm.s32 $0x0;
	s28 =	simm.s32 $0x40;
	[bflag:$0x0] =	sbarrier.arrive $0xFFFF  }
.LBB2_30:
0x150: {  	p0 =	sne.s32 s28, $0x9DC0;
	[tilespmem:s29+$0xF500] =	vst v1;
	s1 =	smov.u32 s28;
	s28 =	sadd.s32 $0x40, s28  }
.Ltmp14:
0x151: {  	(pc) =	sbr.rel @p0 .LBB2_30-.Ltmp14, $2  }
0x152: {  	_ =	sdelay $0x2  }
0x153: {  	s29 =	sshra.s32 s1, $0x2  }
0x154: {  	[tilespmem:s29+$0xF500] =	vst v1  }
0x155: {  	[spmem:s11] =	stream.linear.scatter [tilespmem:s20], [sflag:$0x2], $0x2780, $0x38;
	[tilespmem:$0x16B80] =	vst v63  }
0x156: {  	_ =	swait.ge [sflag:s18], $0x2780  }
0x157: {  	[sflag:s18] =	ssyncset.done $0x0  }
0x158: {  	[sflag:s18] =	ssyncadd.s32 $0xFFFFD880  }
0x159: {  	s1 =	simm.s32 $0x7680;
	[bflag:$0x0] =	sbarrier.arrive $0xFFFF  }
0x15a: {  	[tilespmem:s22], [sflag:$0x1] =	stream.indirect.gather [hbm4b:s5+s21], $0x10, s1, s21, $0xb8;
	[tilespmem:$0x16B80] =	vst v63  }
0x15b: {  	_ =	swait.ge [sflag:s24], $0x800  }
0x15c: {  	[sflag:s24] =	ssyncset.done $0x0  }
0x15d: {  	s31 =	simm.s32 $0x9E00;
	[sflag:s24] =	ssyncadd.s32 $0xFFFFF800  }
0x15e: {  	[spmem:s3] =	stream.indirect.scatter.add.f32 [tilespmem:s22], [sflag:$0x2], $0x10, s31, s21, $0xb8;
	[tilespmem:$0x16B80] =	vst v63  }
0x15f: {  	_ =	swait.ge [sflag:s18], $0x800  }
0x160: {  	s29 =	simm.s32 $0x400;
	s28 =	simm.s32 $0x80;
	[sflag:s18] =	ssyncset.done $0x0  }
.LBB2_32:
0x161: {  	s1 =	sadd.s32 $0x7680, s28  }
0x162: {  	[sflag:s18] =	ssyncadd.s32 $0xFFFFF800;
	s30 =	smov.u32 s29;
	s31 =	sadd.s32 $0x200, s29  }
0x163: {  	[tilespmem:s22], [sflag:$0x1] =	stream.indirect.gather [hbm4b:s5+s21], $0x10, s1, s21, $0xb8;
	[tilespmem:$0x16B80] =	vst v63  }
0x164: {  	p0 =	sne.s32 s29, $0x9C00;
	_ =	swait.ge [sflag:s24], $0x800  }
.Ltmp15:
0x165: {  	[sflag:s24] =	ssyncset.done $0x0;
	(pc) =	sbr.rel @p0 .LBB2_32-.Ltmp15, $4  }
0x166: {  	s1 =	sadd.s32 $0x9E00, s28;
	[sflag:s24] =	ssyncadd.s32 $0xFFFFF800  }
0x167: {  	[spmem:s3] =	stream.indirect.scatter.add.f32 [tilespmem:s22], [sflag:$0x2], $0x10, s1, s21, $0xb8;
	[tilespmem:$0x16B80] =	vst v63  }
0x168: {  	_ =	swait.ge [sflag:s18], $0x800  }
0x169: {  	s28 =	sshra.s32 s30, $0x2;
	s29 =	smov.u32 s31;
	[sflag:s18] =	ssyncset.done $0x0  }
0x16a: {  	s1 =	sadd.s32 $0x7680, s28;
	[sflag:s18] =	ssyncadd.s32 $0xFFFFF800  }
0x16b: {  	[tilespmem:s22], [sflag:$0x1] =	stream.indirect.gather [hbm4b:s5+s21], $0x10, s1, s21, $0xb8;
	[tilespmem:$0x16B80] =	vst v63  }
0x16c: {  	_ =	swait.ge [sflag:s24], $0x800  }
0x16d: {  	[sflag:s24] =	ssyncset.done $0x0  }
0x16e: {  	s31 =	sadd.s32 $0x9E00, s28;
	[sflag:s24] =	ssyncadd.s32 $0xFFFFF800  }
0x16f: {  	[spmem:s3] =	stream.indirect.scatter.add.f32 [tilespmem:s22], [sflag:$0x2], $0x10, s31, s21, $0xb8;
	[tilespmem:$0x16B80] =	vst v63  }
0x170: {  	_ =	swait.ge [sflag:s18], $0x800  }
0x171: {  	[sflag:s18] =	ssyncset.done $0x0  }
0x172: {  	[sflag:s18] =	ssyncadd.s32 $0xFFFFF800  }
0x173: {  	[bflag:$0x0] =	sbarrier.arrive $0xFFFF  }
0x174: {  	[tilespmem:s20], [sflag:$0x2] =	stream.linear.gather [spmem:s11], $0x2780, $0x38;
	[tilespmem:$0x16B80] =	vst v63  }
0x175: {  	_ =	swait.ge [sflag:s18], $0x2780  }
0x176: {  	[sflag:s18] =	ssyncset.done $0x0  }
0x177: {  	s28 =	simm.s32 $0x0;
	[sflag:s18] =	ssyncadd.s32 $0xFFFFD880  }
0x178: {  	s29 =	simm.s32 $0x40;
	v3 =	vld [tilespmem:s28+$0xCD80]  }
.LBB2_34:
0x179: {  	p0 =	sne.s32 s29, $0x9DC0;
	v4 =	vld [tilespmem:s28+$0xF500];
	_ =	sdelay $0x4  }
0x17a: {  	v4 =	vmul.f32 v4, v3  }
0x17b: {  	v5 =	vld [tilespmem:s28+$0x14400]  }
0x17c: {  	v4 =	vsub.f32 $0.0e+00, v4;
	_ =	sdelay $0x1  }
0x17d: {  	v4 =	vadd.f32 v4, v4;
	_ =	sdelay $0x1  }
.Ltmp16:
0x17e: {  	v4 =	vsub.f32 v4, v5;
	(pc) =	sbr.rel @p0 .LBB2_34-.Ltmp16, $4  }
0x17f: {  	_ = 	snop  }
0x180: {  	[tilespmem:s28+$0x14400] =	vst v4;
	v4 =	vmul.f32 v4, v3  }
0x181: {  	s1 =	sshra.s32 s29, $0x2  }
0x182: {  	s29 =	sadd.s32 $0x40, s29;
	v3 =	vld [tilespmem:s1+$0xCD80];
	[tilespmem:s28+$0xF500] =	vst v4;
	s28 =	smov.u32 s1  }
0x183: {  	v4 =	vld [tilespmem:s28+$0xF500];
	_ =	sdelay $0x4  }
0x184: {  	v4 =	vmul.f32 v4, v3  }
0x185: {  	v5 =	vld [tilespmem:s28+$0x14400]  }
0x186: {  	v4 =	vsub.f32 $0.0e+00, v4;
	_ =	sdelay $0x1  }
0x187: {  	v4 =	vadd.f32 v4, v4;
	_ =	sdelay $0x1  }
0x188: {  	v4 =	vsub.f32 v4, v5;
	_ =	sdelay $0x1  }
0x189: {  	v3 =	vmul.f32 v4, v3  }
0x18a: {  	s26 =	sadd.s32 $0x1, s26;
	[tilespmem:s28+$0x14400] =	vst v4  }
0x18b: {  	p0 =	sne.s32 s26, s16;
	[tilespmem:s28+$0xF500] =	vst v3  }
0x18c: {  	[hbm4b:s15+s4] =	stream.linear.scatter [tilespmem:s23], [sflag:$0x2], $0x2780, $0x38;
	[tilespmem:$0x16B80] =	vst v63  }
.Ltmp17:
0x18d: {  	_ =	swait.ge [sflag:s18], $0x2780;
	(pc) =	sbr.rel @p0 .LBB2_1-.Ltmp17, $3  }
0x18e: {  	[sflag:s18] =	ssyncset.done $0x0  }
0x18f: {  	[sflag:s18] =	ssyncadd.s32 $0xFFFFD880  }
0x190: {  	[bflag:$0x0] =	sbarrier.arrive $0xFFFF;
	_ =	sdelay $0x1  }
0x191: {  	_ =	sfence.sel $0x180000  }
0x192: {  	[bflag:$0x0] =	sbarrier.arrive $0xFFFF  }
0x193: {  	_ =	strace $0x90000047  }
0x194: {  	[bflag:$0x2] =	sbarrier.arrive $0xFFFF  }
0x195: {  	p0 =	sne.s32 s0, $0x0;
	s0 =	rddreg [dreg:$0x3]  }
0x196: {  	s0 =	sadd.s32 @!p0 $0x100000, s0  }
0x197: {  	[sflag:s0] =	ssyncadd.tile.s32 @!p0 $0x1;
	_ =	shalt  }
.Lfunc_end2:
_tile_overlayer_lowered:
.L_overlay_start_2:
0x198: {  	(tag) =	ssettag $0x2  }
0x199: {  	s0 =	rddreg [dreg:$0x0];
	s2 =	stileid.u32  }
0x19a: {  	s1 =	rddreg [dreg:$0x1];
	p0 =	sne.s32 s2, $0x0  }
0x19b: {  	s3 =	rddreg [dreg:$0x2];
	[bflag:$0x3] =	sbarrier.arrive $0xFFFF;
	s2 =	simm.s32 @!p0 $0x1C02  }
0x19c: {  	[timem:s3], [sflag:s2] =	dma.local @!p0 [hbm:s0], s1  }
0x19d: {  	s0 =	simm.s32 @!p0 $0x2  }
0x19e: {  	_ =	swait.ge @!p0 [sflag:s0], s1  }
0x19f: {  	s1 =	ssub.s32 @!p0 $0x0, s1;
	[sflag:s0] =	ssyncset.done @!p0 $0x0  }
0x1a0: {  	[sflag:s0] =	ssyncadd.s32 @!p0 s1  }
0x1a1: {  	[bflag:$0x3] =	sbarrier.arrive $0xFFFF  }
0x1a2: {  	_ =	shalt  }

</sc_bundles>
